<compile_context>
chip_gen: v7x
topology: tpu7x:2x2x1
jax: 0.10.2.dev20260603
libtpu: 0.0.44.dev20260713+nightly
codegen_flags: <defaults>
</compile_context>

<pallas_src>
import functools

import jax
import jax.numpy as jnp
from jax import lax
from jax.experimental import pallas as pl
from jax.experimental.pallas import tpu as pltpu
from jax.experimental.pallas import tpu_sc as plsc

MASK_RATIO = 0.15

_NC, _NS = 2, 16
_NW = _NC * _NS
_L = 2048
_RPW = 256
_CH = 16


def _sc_colsum_body(attn_ref, out_ref, buf, acc):
    c = lax.axis_index("c")
    s = lax.axis_index("s")
    wid = s * _NC + c
    b = wid // 8
    row0 = (wid % 8) * _RPW

    def zslice(j, carry):
        acc[pl.ds(j * 16, 16)] = jnp.zeros((16,), jnp.float32)
        return carry

    lax.fori_loop(0, _L // 16, zslice, 0)

    def chunk(ci, carry):
        pltpu.sync_copy(attn_ref.at[b, pl.ds(row0 + ci * _CH, _CH), :], buf)

        def slice_body(j, carry2):
            a = acc[pl.ds(j * 16, 16)]
            for r in range(_CH):
                a = a + buf[r, pl.ds(j * 16, 16)]
            acc[pl.ds(j * 16, 16)] = a
            return carry2

        lax.fori_loop(0, _L // 16, slice_body, 0)
        return carry

    lax.fori_loop(0, _RPW // _CH, chunk, 0)

    pltpu.sync_copy(acc, out_ref.at[wid])


def _select_bottom_k(V, k):
    rows, L = V.shape
    v = jnp.where(V != 0.0, V, jnp.inf)
    bits = lax.bitcast_convert_type(v, jnp.int32)

    def body(_, state):
        lo, hi = state
        mid = lo + lax.div(hi - lo, 2)
        cnt = jnp.sum((bits <= mid).astype(jnp.int32), axis=1, keepdims=True)
        pred = cnt >= k
        return (jnp.where(pred, lo, mid + 1), jnp.where(pred, mid, hi))

    lo0 = jnp.zeros((rows, 1), jnp.int32)
    hi0 = jnp.full((rows, 1), jnp.int32(0x7F800000))
    lo, hi = lax.fori_loop(0, 31, body, (lo0, hi0))
    t = lo

    less = bits < t
    n_less = jnp.sum(less.astype(jnp.int32), axis=1, keepdims=True)
    eq = bits == t
    cum = eq.astype(jnp.int32)
    d = 1
    while d < L:
        shifted = jnp.concatenate(
            [jnp.zeros((rows, d), jnp.int32), cum[:, :L - d]], axis=1)
        cum = cum + shifted
        d *= 2
    take_tie = eq & (cum <= (k - n_less))
    sel = less | take_tie
    return (sel & (V != 0.0)).astype(jnp.float32)


def _colsum_mask_body(aa_ref, pb_ref, apad_ref, bpad_ref, mb_ref, ma_ref,
                      acc_a):
    b = pl.program_id(0)
    r = pl.program_id(1)
    nr = pl.num_programs(1)

    @pl.when(r == 0)
    def _init():
        acc_a[...] = jnp.zeros_like(acc_a)

    acc_a[...] += jnp.sum(aa_ref[0], axis=0, keepdims=True)

    @pl.when(r == nr - 1)
    def _finish():
        L = acc_a.shape[1]
        cs_b = jnp.sum(pb_ref[pl.ds(b * 8, 8), :], axis=0, keepdims=True)
        V = jnp.concatenate([acc_a[...], cs_b], axis=0)
        cnt_b = jnp.float32(L) - jnp.sum(bpad_ref[0])
        cnt_a = jnp.float32(L) - jnp.sum(apad_ref[0])
        k_b = (jnp.float32(MASK_RATIO) * cnt_b).astype(jnp.int32)
        k_a = (jnp.float32(MASK_RATIO) * cnt_a).astype(jnp.int32)
        k = jnp.stack([k_b, k_a]).reshape(2, 1)
        mask = _select_bottom_k(V, k)
        mb_ref[0] = mask[0:1]
        ma_ref[0] = mask[1:2]


def _blend_body(eb_ref, ea_ref, mb_ref, ma_ref, me_ref, ob_ref, oa_ref):
    me = me_ref[...]
    mb = mb_ref[0]
    ma = ma_ref[0]
    ob_ref[0] = eb_ref[0] * (1.0 - mb) + mb * me
    oa_ref[0] = ea_ref[0] * (1.0 - ma) + ma * me


@jax.jit
def kernel(attn_a, attn_b, embed_a, embed_b, a_padding_mask, b_padding_mask,
           mask_embedding):
    B, L, _ = attn_a.shape
    E = embed_a.shape[-1]
    f32 = jnp.float32

    apad_row = a_padding_mask.astype(f32).reshape(B, 1, L)
    bpad_row = b_padding_mask.astype(f32).reshape(B, 1, L)

    sc_colsum = functools.partial(
        pl.kernel,
        mesh=plsc.VectorSubcoreMesh(core_axis_name="c", subcore_axis_name="s"),
        out_type=jax.ShapeDtypeStruct((_NW, _L), f32),
        scratch_types=[
            pltpu.VMEM((_CH, _L), f32),
            pltpu.VMEM((_L,), f32),
        ],
    )(_sc_colsum_body)
    partials_b = sc_colsum(attn_b)

    R = 256
    nR = L // R
    mask_b, mask_a = pl.pallas_call(
        _colsum_mask_body,
        grid=(B, nR),
        in_specs=[
            pl.BlockSpec((1, R, L), lambda b, r: (b, r, 0)),
            pl.BlockSpec((_NW, L), lambda b, r: (0, 0)),
            pl.BlockSpec((1, 1, L), lambda b, r: (b, 0, 0)),
            pl.BlockSpec((1, 1, L), lambda b, r: (b, 0, 0)),
        ],
        out_specs=[
            pl.BlockSpec((1, 1, L), lambda b, r: (b, 0, 0)),
            pl.BlockSpec((1, 1, L), lambda b, r: (b, 0, 0)),
        ],
        out_shape=[
            jax.ShapeDtypeStruct((B, 1, L), f32),
            jax.ShapeDtypeStruct((B, 1, L), f32),
        ],
        scratch_shapes=[
            pltpu.VMEM((1, L), f32),
        ],
    )(attn_a, partials_b, apad_row, bpad_row)

    mask_bT = mask_b.reshape(B, L, 1)
    mask_aT = mask_a.reshape(B, L, 1)

    Lb = 512
    nLb = L // Lb
    out_b, out_a = pl.pallas_call(
        _blend_body,
        grid=(B, nLb),
        in_specs=[
            pl.BlockSpec((1, Lb, E), lambda b, l: (b, l, 0)),
            pl.BlockSpec((1, Lb, E), lambda b, l: (b, l, 0)),
            pl.BlockSpec((1, Lb, 1), lambda b, l: (b, l, 0)),
            pl.BlockSpec((1, Lb, 1), lambda b, l: (b, l, 0)),
            pl.BlockSpec((1, E), lambda b, l: (0, 0)),
        ],
        out_specs=[
            pl.BlockSpec((1, Lb, E), lambda b, l: (b, l, 0)),
            pl.BlockSpec((1, Lb, E), lambda b, l: (b, l, 0)),
        ],
        out_shape=[
            jax.ShapeDtypeStruct((B, L, E), f32),
            jax.ShapeDtypeStruct((B, L, E), f32),
        ],
    )(embed_b, embed_a, mask_bT, mask_aT, mask_embedding)

    return (out_b, out_a)

# --- scband reference (transcript-rebuilt; emitter-appended) ---
"""Pipeline reference for scband-attention-guided-mask-strategy-33715493274243 (READ-ONLY COPY).

The authoritative reference and input builder live on the scoring server;
editing this copy changes nothing except your own understanding.
"""

import jax, jax.numpy as jnp
import numpy as np

MASK_RATIO = 0.15

def setup_inputs(seed: int = 0):
    key = jax.random.key(seed)
    ks = jax.random.split(key, 5)
    B, L, E = 4, 2048, 768
    attn_a = jax.random.uniform(ks[0], (B, L, L), dtype=jnp.float32)
    attn_b = jax.random.uniform(ks[1], (B, L, L), dtype=jnp.float32)
    embed_a = jax.random.normal(ks[2], (B, L, E), dtype=jnp.float32)
    embed_b = jax.random.normal(ks[3], (B, L, E), dtype=jnp.float32)
    a_padding_mask = jnp.zeros((B, L), dtype=bool)
    b_padding_mask = jnp.zeros((B, L), dtype=bool)
    mask_embedding = jax.random.normal(ks[4], (1, E), dtype=jnp.float32)
    return {"attn_a": attn_a, "attn_b": attn_b, "embed_a": embed_a, "embed_b": embed_b, "a_padding_mask": a_padding_mask, "b_padding_mask": b_padding_mask, "mask_embedding": mask_embedding}

def _generate_mask(embedding, cross_attn_weights, query_padding_mask, key_padding_mask):
    # masked_fill over query positions, then sum over query dim -> per-key attention mass
    attn_mask = jnp.where(query_padding_mask[:, :, None], 0.0, cross_attn_weights)
    attn_key = jnp.sum(attn_mask, axis=1)  # [B, L_key]
    non_padding_counts = jnp.sum(~key_padding_mask, axis=1)
    k_values = (MASK_RATIO * non_padding_counts.astype(jnp.float32)).astype(jnp.int32)
    # per row: k smallest among nonzero entries of attn_key (zeros excluded via +inf)
    vals = jnp.where(attn_key != 0, attn_key, jnp.inf)
    order = jnp.argsort(vals, axis=1)          # ascending
    ranks = jnp.argsort(order, axis=1)         # rank of each key position
    mask = (ranks < k_values[:, None]) & (attn_key != 0)
    return mask.astype(embedding.dtype)

def reference(attn_a, attn_b, embed_a, embed_b, a_padding_mask, b_padding_mask, mask_embedding):
    mask_b = _generate_mask(embed_b, attn_a, a_padding_mask, b_padding_mask)[..., None]
    mask_a = _generate_mask(embed_a, attn_b, b_padding_mask, a_padding_mask)[..., None]
    masked_embed_b = (1.0 - mask_b) * embed_b + mask_b * mask_embedding
    masked_embed_a = (1.0 - mask_a) * embed_a + mask_a * mask_embedding
    return (masked_embed_b, masked_embed_a)

if __name__ == "__main__":
    import jax
    _d = setup_inputs()
    print(jax.jit(kernel)(*tuple(_d.values())))

</pallas_src>

<mosaic_0001>
#map = affine_map<(d0, d1) -> (0, 0, 0)>
#map1 = affine_map<(d0, d1) -> (0, 0)>
module attributes {stable_mosaic.version = 14 : i64} {
  func.func @_sc_colsum_body(%arg0: i32, %arg1: i32, %arg2: memref<4x2048x2048xf32, #tpu.memory_space<hbm>>, %arg3: memref<32x2048xf32, #tpu.memory_space<hbm>>, %arg4: memref<16x2048xf32, #tpu.memory_space<vmem>>, %arg5: memref<2048xf32, #tpu.memory_space<vmem>>) attributes {dimension_semantics = [#tpu.dimension_semantics<core_parallel>, #tpu.dimension_semantics<subcore_parallel>], iteration_bounds = array<i64: 2, 16>, scalar_prefetch = 0 : i64, scratch_operands = 2 : i64, tpu.core_type = #tpu.core_type<sc_vector_subcore>, window_params = [{transform_indices = #map}, {transform_indices = #map1}]} {
    %mul3A = arith.constant 2 : i32
    %mul3A_0 = arith.muli %arg1, %mul3A : i32
    %add3A = arith.addi %mul3A_0, %arg0 : i32
    %jit3A = arith.constant 8 : i32
    %div3A = arith.divsi %add3A, %jit3A : i32
    %sign3A = arith.constant 0 : i32
    %sign3A_1 = arith.cmpi sgt, %add3A, %sign3A : i32
    %sign3A_2 = arith.extui %sign3A_1 : i1 to i32
    %sign3A_3 = arith.constant 0 : i32
    %sign3A_4 = arith.cmpi slt, %add3A, %sign3A_3 : i32
    %sign3A_5 = arith.extui %sign3A_4 : i1 to i32
    %sign3A_6 = arith.subi %sign3A_2, %sign3A_5 : i32
    %sign3A_7 = arith.constant 0 : i32
    %sign3A_8 = arith.cmpi sgt, %jit3A, %sign3A_7 : i32
    %sign3A_9 = arith.extui %sign3A_8 : i1 to i32
    %sign3A_10 = arith.constant 0 : i32
    %sign3A_11 = arith.cmpi slt, %jit3A, %sign3A_10 : i32
    %sign3A_12 = arith.extui %sign3A_11 : i1 to i32
    %sign3A_13 = arith.subi %sign3A_9, %sign3A_12 : i32
    %ne3A = arith.cmpi ne, %sign3A_6, %sign3A_13 : i32
    %rem3A = arith.remsi %add3A, %jit3A : i32
    %ne3A_14 = arith.constant 0 : i32
    %ne3A_15 = arith.cmpi ne, %rem3A, %ne3A_14 : i32
    %and3A = arith.andi %ne3A, %ne3A_15 : i1
    %sub3A = arith.constant 1 : i32
    %sub3A_16 = arith.subi %div3A, %sub3A : i32
    %select_n3A = arith.select %and3A, %sub3A_16, %div3A : i32
    %jit3A_17 = arith.constant 8 : i32
    %eq3A = arith.constant 0 : i32
    %eq3A_18 = arith.cmpi eq, %jit3A_17, %eq3A : i32
    %jit3A_19 = arith.constant 1 : i32
    %select_n3A_20 = arith.select %eq3A_18, %jit3A_19, %jit3A_17 : i32
    %rem3A_21 = arith.remsi %add3A, %select_n3A_20 : i32
    %ne3A_22 = arith.constant 0 : i32
    %ne3A_23 = arith.cmpi ne, %rem3A_21, %ne3A_22 : i32
    %lt3A = arith.constant 0 : i32
    %lt3A_24 = arith.cmpi slt, %rem3A_21, %lt3A : i32
    %lt3A_25 = arith.constant 0 : i32
    %lt3A_26 = arith.cmpi slt, %select_n3A_20, %lt3A_25 : i32
    %ne3A_27 = arith.xori %lt3A_24, %lt3A_26 : i1
    %and3A_28 = arith.andi %ne3A_27, %ne3A_23 : i1
    %add3A_29 = arith.addi %rem3A_21, %select_n3A_20 : i32
    %select_n3A_30 = arith.select %and3A_28, %add3A_29, %rem3A_21 : i32
    %mul3A_31 = arith.constant 256 : i32
    %mul3A_32 = arith.muli %select_n3A_30, %mul3A_31 : i32
    %scan3A = arith.constant 0 : i32
    %scan3A_33 = arith.constant 0 : i32
    %scan3A_34 = arith.constant 128 : i32
    %scan3A_35 = arith.addi %scan3A_33, %scan3A_34 : i32
    %scan3A_36 = arith.constant 1 : i32
    scf.for %scan3A_44 = %scan3A_33 to %scan3A_35 step %scan3A_36  : i32 {
      %broadcast_in_dim3A = arith.constant 0.000000e+00 : f32
      %broadcast_in_dim3A_45 = vector.broadcast %broadcast_in_dim3A : f32 to vector<16xf32>
      %mul3A_46 = arith.constant 16 : i32
      %mul3A_47 = arith.muli %scan3A_44, %mul3A_46 : i32
      %swap3A = arith.index_cast %mul3A_47 : i32 to index
      %swap3A_48 = tpu.vector_load %arg5[%swap3A] {strides = array<i32>} : memref<2048xf32, #tpu.memory_space<vmem>>, vector<16xf32>,
      %swap3A_49 = vector.shape_cast %swap3A_48 : vector<16xf32> to vector<16xf32>
      %swap3A_50 = vector.shape_cast %broadcast_in_dim3A_45 : vector<16xf32> to vector<16xf32>
      tpu.vector_store %arg5[%swap3A], %swap3A_50 {strides = array<i32>} : memref<2048xf32, #tpu.memory_space<vmem>>, vector<16xf32>,
    }
    %scan3A_37 = arith.constant 128 : i32
    %scan3A_38 = arith.constant 0 : i32
    %scan3A_39 = arith.constant 0 : i32
    %scan3A_40 = arith.constant 16 : i32
    %scan3A_41 = arith.addi %scan3A_39, %scan3A_40 : i32
    %scan3A_42 = arith.constant 1 : i32
    scf.for %scan3A_44 = %scan3A_39 to %scan3A_41 step %scan3A_42  : i32 {
      %mul3A_45 = arith.constant 16 : i32
      %mul3A_46 = arith.muli %scan3A_44, %mul3A_45 : i32
      %add3A_47 = arith.addi %mul3A_32, %mul3A_46 : i32
      "tpu.region"() ({
        %run_scoped3A = tpu.sem_alloc : memref<!tpu.dma_semaphore, #tpu.memory_space<semaphore_mem>>
        %dma_start3A = arith.constant 0 : i32
        %dma_start3A_54 = tpu.memref_slice %arg2[%select_n3A, %add3A_47, %dma_start3A] : memref<4x2048x2048xf32, #tpu.memory_space<hbm>> -> memref<1x16x2048xf32, #tpu.memory_space<hbm>>
        %dma_start3A_55 = tpu.memref_squeeze %dma_start3A_54 : memref<1x16x2048xf32, #tpu.memory_space<hbm>> -> memref<16x2048xf32, #tpu.memory_space<hbm>>
        %dma_start3A_56 = arith.constant 0 : i32
        %dma_start3A_57 = tpu.memref_slice %arg2[%select_n3A, %add3A_47, %dma_start3A_56] : memref<4x2048x2048xf32, #tpu.memory_space<hbm>> -> memref<1x16x2048xf32, #tpu.memory_space<hbm>>
        %dma_start3A_58 = tpu.memref_squeeze %dma_start3A_57 : memref<1x16x2048xf32, #tpu.memory_space<hbm>> -> memref<16x2048xf32, #tpu.memory_space<hbm>>
        tpu.enqueue_dma source(%dma_start3A_58 : memref<16x2048xf32, #tpu.memory_space<hbm>>) target(%arg4 : memref<16x2048xf32, #tpu.memory_space<vmem>>) target_semaphore(%run_scoped3A : memref<!tpu.dma_semaphore, #tpu.memory_space<semaphore_mem>>)
        %dma_wait3A = arith.constant 0 : i32
        %dma_wait3A_59 = tpu.memref_slice %arg2[%select_n3A, %add3A_47, %dma_wait3A] : memref<4x2048x2048xf32, #tpu.memory_space<hbm>> -> memref<1x16x2048xf32, #tpu.memory_space<hbm>>
        %dma_wait3A_60 = tpu.memref_squeeze %dma_wait3A_59 : memref<1x16x2048xf32, #tpu.memory_space<hbm>> -> memref<16x2048xf32, #tpu.memory_space<hbm>>
        %dma_wait3A_61 = arith.constant 0 : i32
        %dma_wait3A_62 = tpu.memref_slice %arg2[%select_n3A, %add3A_47, %dma_wait3A_61] : memref<4x2048x2048xf32, #tpu.memory_space<hbm>> -> memref<1x16x2048xf32, #tpu.memory_space<hbm>>
        %dma_wait3A_63 = tpu.memref_squeeze %dma_wait3A_62 : memref<1x16x2048xf32, #tpu.memory_space<hbm>> -> memref<16x2048xf32, #tpu.memory_space<hbm>>
        tpu.wait_dma2 semaphore(%run_scoped3A : memref<!tpu.dma_semaphore, #tpu.memory_space<semaphore_mem>>) src(%dma_wait3A_63 : memref<16x2048xf32, #tpu.memory_space<hbm>>) dst(%arg4 : memref<16x2048xf32, #tpu.memory_space<vmem>>)
        tpu.yield
      }) : () -> ()
      %scan3A_48 = arith.constant 0 : i32
      %scan3A_49 = arith.constant 0 : i32
      %scan3A_50 = arith.constant 128 : i32
      %scan3A_51 = arith.addi %scan3A_49, %scan3A_50 : i32
      %scan3A_52 = arith.constant 1 : i32
      scf.for %scan3A_54 = %scan3A_49 to %scan3A_51 step %scan3A_52  : i32 {
        %mul3A_55 = arith.constant 16 : i32
        %mul3A_56 = arith.muli %scan3A_54, %mul3A_55 : i32
        %get3A = arith.index_cast %mul3A_56 : i32 to index
        %get3A_57 = tpu.vector_load %arg5[%get3A] {strides = array<i32>} : memref<2048xf32, #tpu.memory_space<vmem>>, vector<16xf32>,
        %get3A_58 = vector.shape_cast %get3A_57 : vector<16xf32> to vector<16xf32>
        %mul3A_59 = arith.constant 16 : i32
        %mul3A_60 = arith.muli %scan3A_54, %mul3A_59 : i32
        %get3A_61 = arith.constant 0 : i32
        %get3A_62 = arith.index_cast %get3A_61 : i32 to index
        %get3A_63 = arith.index_cast %mul3A_60 : i32 to index
        %get3A_64 = tpu.vector_load %arg4[%get3A_62, %get3A_63] {strides = array<i32>} : memref<16x2048xf32, #tpu.memory_space<vmem>>, vector<1x16xf32>,
        %get3A_65 = vector.shape_cast %get3A_64 : vector<1x16xf32> to vector<16xf32>
        %add3A_66 = arith.addf %get3A_58, %get3A_65 : vector<16xf32>
        %mul3A_67 = arith.constant 16 : i32
        %mul3A_68 = arith.muli %scan3A_54, %mul3A_67 : i32
        %get3A_69 = arith.constant 1 : i32
        %get3A_70 = arith.index_cast %get3A_69 : i32 to index
        %get3A_71 = arith.index_cast %mul3A_68 : i32 to index
        %get3A_72 = tpu.vector_load %arg4[%get3A_70, %get3A_71] {strides = array<i32>} : memref<16x2048xf32, #tpu.memory_space<vmem>>, vector<1x16xf32>,
        %get3A_73 = vector.shape_cast %get3A_72 : vector<1x16xf32> to vector<16xf32>
        %add3A_74 = arith.addf %add3A_66, %get3A_73 : vector<16xf32>
        %mul3A_75 = arith.constant 16 : i32
        %mul3A_76 = arith.muli %scan3A_54, %mul3A_75 : i32
        %get3A_77 = arith.constant 2 : i32
        %get3A_78 = arith.index_cast %get3A_77 : i32 to index
        %get3A_79 = arith.index_cast %mul3A_76 : i32 to index
        %get3A_80 = tpu.vector_load %arg4[%get3A_78, %get3A_79] {strides = array<i32>} : memref<16x2048xf32, #tpu.memory_space<vmem>>, vector<1x16xf32>,
        %get3A_81 = vector.shape_cast %get3A_80 : vector<1x16xf32> to vector<16xf32>
        %add3A_82 = arith.addf %add3A_74, %get3A_81 : vector<16xf32>
        %mul3A_83 = arith.constant 16 : i32
        %mul3A_84 = arith.muli %scan3A_54, %mul3A_83 : i32
        %get3A_85 = arith.constant 3 : i32
        %get3A_86 = arith.index_cast %get3A_85 : i32 to index
        %get3A_87 = arith.index_cast %mul3A_84 : i32 to index
        %get3A_88 = tpu.vector_load %arg4[%get3A_86, %get3A_87] {strides = array<i32>} : memref<16x2048xf32, #tpu.memory_space<vmem>>, vector<1x16xf32>,
        %get3A_89 = vector.shape_cast %get3A_88 : vector<1x16xf32> to vector<16xf32>
        %add3A_90 = arith.addf %add3A_82, %get3A_89 : vector<16xf32>
        %mul3A_91 = arith.constant 16 : i32
        %mul3A_92 = arith.muli %scan3A_54, %mul3A_91 : i32
        %get3A_93 = arith.constant 4 : i32
        %get3A_94 = arith.index_cast %get3A_93 : i32 to index
        %get3A_95 = arith.index_cast %mul3A_92 : i32 to index
        %get3A_96 = tpu.vector_load %arg4[%get3A_94, %get3A_95] {strides = array<i32>} : memref<16x2048xf32, #tpu.memory_space<vmem>>, vector<1x16xf32>,
        %get3A_97 = vector.shape_cast %get3A_96 : vector<1x16xf32> to vector<16xf32>
        %add3A_98 = arith.addf %add3A_90, %get3A_97 : vector<16xf32>
        %mul3A_99 = arith.constant 16 : i32
        %mul3A_100 = arith.muli %scan3A_54, %mul3A_99 : i32
        %get3A_101 = arith.constant 5 : i32
        %get3A_102 = arith.index_cast %get3A_101 : i32 to index
        %get3A_103 = arith.index_cast %mul3A_100 : i32 to index
        %get3A_104 = tpu.vector_load %arg4[%get3A_102, %get3A_103] {strides = array<i32>} : memref<16x2048xf32, #tpu.memory_space<vmem>>, vector<1x16xf32>,
        %get3A_105 = vector.shape_cast %get3A_104 : vector<1x16xf32> to vector<16xf32>
        %add3A_106 = arith.addf %add3A_98, %get3A_105 : vector<16xf32>
        %mul3A_107 = arith.constant 16 : i32
        %mul3A_108 = arith.muli %scan3A_54, %mul3A_107 : i32
        %get3A_109 = arith.constant 6 : i32
        %get3A_110 = arith.index_cast %get3A_109 : i32 to index
        %get3A_111 = arith.index_cast %mul3A_108 : i32 to index
        %get3A_112 = tpu.vector_load %arg4[%get3A_110, %get3A_111] {strides = array<i32>} : memref<16x2048xf32, #tpu.memory_space<vmem>>, vector<1x16xf32>,
        %get3A_113 = vector.shape_cast %get3A_112 : vector<1x16xf32> to vector<16xf32>
        %add3A_114 = arith.addf %add3A_106, %get3A_113 : vector<16xf32>
        %mul3A_115 = arith.constant 16 : i32
        %mul3A_116 = arith.muli %scan3A_54, %mul3A_115 : i32
        %get3A_117 = arith.constant 7 : i32
        %get3A_118 = arith.index_cast %get3A_117 : i32 to index
        %get3A_119 = arith.index_cast %mul3A_116 : i32 to index
        %get3A_120 = tpu.vector_load %arg4[%get3A_118, %get3A_119] {strides = array<i32>} : memref<16x2048xf32, #tpu.memory_space<vmem>>, vector<1x16xf32>,
        %get3A_121 = vector.shape_cast %get3A_120 : vector<1x16xf32> to vector<16xf32>
        %add3A_122 = arith.addf %add3A_114, %get3A_121 : vector<16xf32>
        %mul3A_123 = arith.constant 16 : i32
        %mul3A_124 = arith.muli %scan3A_54, %mul3A_123 : i32
        %get3A_125 = arith.constant 8 : i32
        %get3A_126 = arith.index_cast %get3A_125 : i32 to index
        %get3A_127 = arith.index_cast %mul3A_124 : i32 to index
        %get3A_128 = tpu.vector_load %arg4[%get3A_126, %get3A_127] {strides = array<i32>} : memref<16x2048xf32, #tpu.memory_space<vmem>>, vector<1x16xf32>,
        %get3A_129 = vector.shape_cast %get3A_128 : vector<1x16xf32> to vector<16xf32>
        %add3A_130 = arith.addf %add3A_122, %get3A_129 : vector<16xf32>
        %mul3A_131 = arith.constant 16 : i32
        %mul3A_132 = arith.muli %scan3A_54, %mul3A_131 : i32
        %get3A_133 = arith.constant 9 : i32
        %get3A_134 = arith.index_cast %get3A_133 : i32 to index
        %get3A_135 = arith.index_cast %mul3A_132 : i32 to index
        %get3A_136 = tpu.vector_load %arg4[%get3A_134, %get3A_135] {strides = array<i32>} : memref<16x2048xf32, #tpu.memory_space<vmem>>, vector<1x16xf32>,
        %get3A_137 = vector.shape_cast %get3A_136 : vector<1x16xf32> to vector<16xf32>
        %add3A_138 = arith.addf %add3A_130, %get3A_137 : vector<16xf32>
        %mul3A_139 = arith.constant 16 : i32
        %mul3A_140 = arith.muli %scan3A_54, %mul3A_139 : i32
        %get3A_141 = arith.constant 10 : i32
        %get3A_142 = arith.index_cast %get3A_141 : i32 to index
        %get3A_143 = arith.index_cast %mul3A_140 : i32 to index
        %get3A_144 = tpu.vector_load %arg4[%get3A_142, %get3A_143] {strides = array<i32>} : memref<16x2048xf32, #tpu.memory_space<vmem>>, vector<1x16xf32>,
        %get3A_145 = vector.shape_cast %get3A_144 : vector<1x16xf32> to vector<16xf32>
        %add3A_146 = arith.addf %add3A_138, %get3A_145 : vector<16xf32>
        %mul3A_147 = arith.constant 16 : i32
        %mul3A_148 = arith.muli %scan3A_54, %mul3A_147 : i32
        %get3A_149 = arith.constant 11 : i32
        %get3A_150 = arith.index_cast %get3A_149 : i32 to index
        %get3A_151 = arith.index_cast %mul3A_148 : i32 to index
        %get3A_152 = tpu.vector_load %arg4[%get3A_150, %get3A_151] {strides = array<i32>} : memref<16x2048xf32, #tpu.memory_space<vmem>>, vector<1x16xf32>,
        %get3A_153 = vector.shape_cast %get3A_152 : vector<1x16xf32> to vector<16xf32>
        %add3A_154 = arith.addf %add3A_146, %get3A_153 : vector<16xf32>
        %mul3A_155 = arith.constant 16 : i32
        %mul3A_156 = arith.muli %scan3A_54, %mul3A_155 : i32
        %get3A_157 = arith.constant 12 : i32
        %get3A_158 = arith.index_cast %get3A_157 : i32 to index
        %get3A_159 = arith.index_cast %mul3A_156 : i32 to index
        %get3A_160 = tpu.vector_load %arg4[%get3A_158, %get3A_159] {strides = array<i32>} : memref<16x2048xf32, #tpu.memory_space<vmem>>, vector<1x16xf32>,
        %get3A_161 = vector.shape_cast %get3A_160 : vector<1x16xf32> to vector<16xf32>
        %add3A_162 = arith.addf %add3A_154, %get3A_161 : vector<16xf32>
        %mul3A_163 = arith.constant 16 : i32
        %mul3A_164 = arith.muli %scan3A_54, %mul3A_163 : i32
        %get3A_165 = arith.constant 13 : i32
        %get3A_166 = arith.index_cast %get3A_165 : i32 to index
        %get3A_167 = arith.index_cast %mul3A_164 : i32 to index
        %get3A_168 = tpu.vector_load %arg4[%get3A_166, %get3A_167] {strides = array<i32>} : memref<16x2048xf32, #tpu.memory_space<vmem>>, vector<1x16xf32>,
        %get3A_169 = vector.shape_cast %get3A_168 : vector<1x16xf32> to vector<16xf32>
        %add3A_170 = arith.addf %add3A_162, %get3A_169 : vector<16xf32>
        %mul3A_171 = arith.constant 16 : i32
        %mul3A_172 = arith.muli %scan3A_54, %mul3A_171 : i32
        %get3A_173 = arith.constant 14 : i32
        %get3A_174 = arith.index_cast %get3A_173 : i32 to index
        %get3A_175 = arith.index_cast %mul3A_172 : i32 to index
        %get3A_176 = tpu.vector_load %arg4[%get3A_174, %get3A_175] {strides = array<i32>} : memref<16x2048xf32, #tpu.memory_space<vmem>>, vector<1x16xf32>,
        %get3A_177 = vector.shape_cast %get3A_176 : vector<1x16xf32> to vector<16xf32>
        %add3A_178 = arith.addf %add3A_170, %get3A_177 : vector<16xf32>
        %mul3A_179 = arith.constant 16 : i32
        %mul3A_180 = arith.muli %scan3A_54, %mul3A_179 : i32
        %get3A_181 = arith.constant 15 : i32
        %get3A_182 = arith.index_cast %get3A_181 : i32 to index
        %get3A_183 = arith.index_cast %mul3A_180 : i32 to index
        %get3A_184 = tpu.vector_load %arg4[%get3A_182, %get3A_183] {strides = array<i32>} : memref<16x2048xf32, #tpu.memory_space<vmem>>, vector<1x16xf32>,
        %get3A_185 = vector.shape_cast %get3A_184 : vector<1x16xf32> to vector<16xf32>
        %add3A_186 = arith.addf %add3A_178, %get3A_185 : vector<16xf32>
        %mul3A_187 = arith.constant 16 : i32
        %mul3A_188 = arith.muli %scan3A_54, %mul3A_187 : i32
        %swap3A = arith.index_cast %mul3A_188 : i32 to index
        %swap3A_189 = tpu.vector_load %arg5[%swap3A] {strides = array<i32>} : memref<2048xf32, #tpu.memory_space<vmem>>, vector<16xf32>,
        %swap3A_190 = vector.shape_cast %swap3A_189 : vector<16xf32> to vector<16xf32>
        %swap3A_191 = vector.shape_cast %add3A_186 : vector<16xf32> to vector<16xf32>
        tpu.vector_store %arg5[%swap3A], %swap3A_191 {strides = array<i32>} : memref<2048xf32, #tpu.memory_space<vmem>>, vector<16xf32>,
      }
      %scan3A_53 = arith.constant 128 : i32
    }
    %scan3A_43 = arith.constant 16 : i32
    "tpu.region"() ({
      %run_scoped3A = tpu.sem_alloc : memref<!tpu.dma_semaphore, #tpu.memory_space<semaphore_mem>>
      %dma_start3A = arith.constant 0 : i32
      %dma_start3A_44 = tpu.memref_slice %arg3[%add3A, %dma_start3A] : memref<32x2048xf32, #tpu.memory_space<hbm>> -> memref<1x2048xf32, #tpu.memory_space<hbm>>
      %dma_start3A_45 = tpu.memref_squeeze %dma_start3A_44 : memref<1x2048xf32, #tpu.memory_space<hbm>> -> memref<2048xf32, #tpu.memory_space<hbm>>
      %dma_start3A_46 = arith.constant 0 : i32
      %dma_start3A_47 = tpu.memref_slice %arg3[%add3A, %dma_start3A_46] : memref<32x2048xf32, #tpu.memory_space<hbm>> -> memref<1x2048xf32, #tpu.memory_space<hbm>>
      %dma_start3A_48 = tpu.memref_squeeze %dma_start3A_47 : memref<1x2048xf32, #tpu.memory_space<hbm>> -> memref<2048xf32, #tpu.memory_space<hbm>>
      tpu.enqueue_dma source(%arg5 : memref<2048xf32, #tpu.memory_space<vmem>>) target(%dma_start3A_48 : memref<2048xf32, #tpu.memory_space<hbm>>) target_semaphore(%run_scoped3A : memref<!tpu.dma_semaphore, #tpu.memory_space<semaphore_mem>>)
      %dma_wait3A = arith.constant 0 : i32
      %dma_wait3A_49 = tpu.memref_slice %arg3[%add3A, %dma_wait3A] : memref<32x2048xf32, #tpu.memory_space<hbm>> -> memref<1x2048xf32, #tpu.memory_space<hbm>>
      %dma_wait3A_50 = tpu.memref_squeeze %dma_wait3A_49 : memref<1x2048xf32, #tpu.memory_space<hbm>> -> memref<2048xf32, #tpu.memory_space<hbm>>
      %dma_wait3A_51 = arith.constant 0 : i32
      %dma_wait3A_52 = tpu.memref_slice %arg3[%add3A, %dma_wait3A_51] : memref<32x2048xf32, #tpu.memory_space<hbm>> -> memref<1x2048xf32, #tpu.memory_space<hbm>>
      %dma_wait3A_53 = tpu.memref_squeeze %dma_wait3A_52 : memref<1x2048xf32, #tpu.memory_space<hbm>> -> memref<2048xf32, #tpu.memory_space<hbm>>
      tpu.wait_dma2 semaphore(%run_scoped3A : memref<!tpu.dma_semaphore, #tpu.memory_space<semaphore_mem>>) src(%arg5 : memref<2048xf32, #tpu.memory_space<vmem>>) dst(%dma_wait3A_53 : memref<2048xf32, #tpu.memory_space<hbm>>)
      tpu.yield
    }) : () -> ()
    return
  }
}

module attributes {stable_mosaic.version = 14 : i64} {
  func.func @_colsum_mask_body(%arg0: i32, %arg1: i32, %arg2: memref<1x256x2048xf32, #tpu.memory_space<vmem>>, %arg3: memref<32x2048xf32, #tpu.memory_space<vmem>>, %arg4: memref<1x1x2048xf32, #tpu.memory_space<vmem>>, %arg5: memref<1x1x2048xf32, #tpu.memory_space<vmem>>, %arg6: memref<1x1x2048xf32, #tpu.memory_space<vmem>>, %arg7: memref<1x1x2048xf32, #tpu.memory_space<vmem>>, %arg8: memref<1x2048xf32, #tpu.memory_space<vmem>>) attributes {dimension_semantics = [#tpu.dimension_semantics<arbitrary>, #tpu.dimension_semantics<arbitrary>], iteration_bounds = array<i64: 4, 8>, scalar_prefetch = 0 : i64, scratch_operands = 1 : i64, tpu.core_type = #tpu.core_type<tc>, window_params = [{transform_indices = @transform_0, window_bounds = array<i64: 1, 256, 2048>}, {pipeline_mode = #tpu.pipeline_mode<synchronous>, transform_indices = @transform_1, window_bounds = array<i64: 32, 2048>}, {transform_indices = @transform_2, window_bounds = array<i64: 1, 1, 2048>}, {transform_indices = @transform_3, window_bounds = array<i64: 1, 1, 2048>}, {transform_indices = @transform_4, window_bounds = array<i64: 1, 1, 2048>}, {transform_indices = @transform_5, window_bounds = array<i64: 1, 1, 2048>}]} {
    %eq3A = arith.constant 0 : i32
    %eq3A_0 = arith.cmpi eq, %arg1, %eq3A : i32
    %convert_element_type3A = arith.extui %eq3A_0 : i1 to i32
    %cond3A = arith.constant 0 : i32
    %cond3A_1 = arith.cmpi ne, %convert_element_type3A, %cond3A : i32
    scf.if %cond3A_1 {
      %broadcast_in_dim3A_17 = arith.constant 0.000000e+00 : f32
      %broadcast_in_dim3A_18 = vector.broadcast %broadcast_in_dim3A_17 : f32 to vector<1x2048xf32>
      %swap3A_19 = arith.constant 0 : index
      %swap3A_20 = arith.constant 0 : index
      %swap3A_21 = vector.load %arg8[%swap3A_19, %swap3A_20] : memref<1x2048xf32, #tpu.memory_space<vmem>>, vector<1x2048xf32>
      tpu.vector_store %arg8[%swap3A_19, %swap3A_20], %broadcast_in_dim3A_18 {strides = array<i32>} : memref<1x2048xf32, #tpu.memory_space<vmem>>, vector<1x2048xf32>,
    } else {
    }
    %get3A = arith.constant 0 : index
    %get3A_2 = arith.constant 0 : index
    %get3A_3 = vector.load %arg8[%get3A, %get3A_2] : memref<1x2048xf32, #tpu.memory_space<vmem>>, vector<1x2048xf32>
    %get3A_4 = arith.constant 0 : index
    %get3A_5 = arith.constant 0 : index
    %get3A_6 = arith.constant 0 : index
    %get3A_7 = vector.load %arg2[%get3A_4, %get3A_5, %get3A_6] : memref<1x256x2048xf32, #tpu.memory_space<vmem>>, vector<1x256x2048xf32>
    %get3A_8 = vector.shape_cast %get3A_7 : vector<1x256x2048xf32> to vector<256x2048xf32>
    %reduce_sum3A = arith.constant dense<0.000000e+00> : vector<2048xf32>
    %reduce_sum3A_9 = vector.multi_reduction <add>, %get3A_8, %reduce_sum3A [0] : vector<256x2048xf32> to vector<2048xf32>
    %broadcast_in_dim3A = vector.shape_cast %reduce_sum3A_9 : vector<2048xf32> to vector<1x2048xf32>
    %add3A = arith.addf %get3A_3, %broadcast_in_dim3A : vector<1x2048xf32>
    %swap3A = arith.constant 0 : index
    %swap3A_10 = arith.constant 0 : index
    %swap3A_11 = vector.load %arg8[%swap3A, %swap3A_10] : memref<1x2048xf32, #tpu.memory_space<vmem>>, vector<1x2048xf32>
    tpu.vector_store %arg8[%swap3A, %swap3A_10], %add3A {strides = array<i32>} : memref<1x2048xf32, #tpu.memory_space<vmem>>, vector<1x2048xf32>,
    %eq3A_12 = arith.constant 7 : i32
    %eq3A_13 = arith.cmpi eq, %arg1, %eq3A_12 : i32
    %convert_element_type3A_14 = arith.extui %eq3A_13 : i1 to i32
    %cond3A_15 = arith.constant 0 : i32
    %cond3A_16 = arith.cmpi ne, %convert_element_type3A_14, %cond3A_15 : i32
    scf.if %cond3A_16 {
      %mul3A = arith.constant 8 : i32
      %mul3A_17 = arith.muli %arg0, %mul3A : i32
      %get3A_18 = arith.index_cast %mul3A_17 : i32 to index
      %get3A_19 = arith.constant 0 : index
      %get3A_20 = vector.load %arg3[%get3A_18, %get3A_19] : memref<32x2048xf32, #tpu.memory_space<vmem>>, vector<8x2048xf32>
      %reduce_sum3A_21 = arith.constant dense<0.000000e+00> : vector<2048xf32>
      %reduce_sum3A_22 = vector.multi_reduction <add>, %get3A_20, %reduce_sum3A_21 [0] : vector<8x2048xf32> to vector<2048xf32>
      %broadcast_in_dim3A_23 = vector.shape_cast %reduce_sum3A_22 : vector<2048xf32> to vector<1x2048xf32>
      %get3A_24 = arith.constant 0 : index
      %get3A_25 = arith.constant 0 : index
      %get3A_26 = vector.load %arg8[%get3A_24, %get3A_25] : memref<1x2048xf32, #tpu.memory_space<vmem>>, vector<1x2048xf32>
      %concatenate3A = tpu.concatenate %get3A_26, %broadcast_in_dim3A_23 in 0 : vector<1x2048xf32>, vector<1x2048xf32> -> vector<2x2048xf32>
      %get3A_27 = arith.constant 0 : index
      %get3A_28 = arith.constant 0 : index
      %get3A_29 = arith.constant 0 : index
      %get3A_30 = vector.load %arg5[%get3A_27, %get3A_28, %get3A_29] : memref<1x1x2048xf32, #tpu.memory_space<vmem>>, vector<1x1x2048xf32>
      %get3A_31 = vector.shape_cast %get3A_30 : vector<1x1x2048xf32> to vector<1x2048xf32>
      %reduce_sum3A_32 = vector.shape_cast %get3A_31 : vector<1x2048xf32> to vector<1x1x2048xf32>
      %reduce_sum3A_33 = arith.constant dense<0.000000e+00> : vector<1xf32>
      %reduce_sum3A_34 = vector.multi_reduction <add>, %reduce_sum3A_32, %reduce_sum3A_33 [1, 2] : vector<1x1x2048xf32> to vector<1xf32>
      %reduce_sum3A_35 = vector.shape_cast %reduce_sum3A_34 : vector<1xf32> to vector<1x1x1xf32>
      %reduce_sum3A_36 = vector.extract %reduce_sum3A_35[0, 0, 0] : f32 from vector<1x1x1xf32>
      %sub3A = arith.constant 2.048000e+03 : f32
      %sub3A_37 = arith.subf %sub3A, %reduce_sum3A_36 : f32
      %get3A_38 = arith.constant 0 : index
      %get3A_39 = arith.constant 0 : index
      %get3A_40 = arith.constant 0 : index
      %get3A_41 = vector.load %arg4[%get3A_38, %get3A_39, %get3A_40] : memref<1x1x2048xf32, #tpu.memory_space<vmem>>, vector<1x1x2048xf32>
      %get3A_42 = vector.shape_cast %get3A_41 : vector<1x1x2048xf32> to vector<1x2048xf32>
      %reduce_sum3A_43 = vector.shape_cast %get3A_42 : vector<1x2048xf32> to vector<1x1x2048xf32>
      %reduce_sum3A_44 = arith.constant dense<0.000000e+00> : vector<1xf32>
      %reduce_sum3A_45 = vector.multi_reduction <add>, %reduce_sum3A_43, %reduce_sum3A_44 [1, 2] : vector<1x1x2048xf32> to vector<1xf32>
      %reduce_sum3A_46 = vector.shape_cast %reduce_sum3A_45 : vector<1xf32> to vector<1x1x1xf32>
      %reduce_sum3A_47 = vector.extract %reduce_sum3A_46[0, 0, 0] : f32 from vector<1x1x1xf32>
      %sub3A_48 = arith.constant 2.048000e+03 : f32
      %sub3A_49 = arith.subf %sub3A_48, %reduce_sum3A_47 : f32
      %mul3A_50 = arith.constant 1.500000e-01 : f32
      %mul3A_51 = arith.mulf %mul3A_50, %sub3A_37 : f32
      %convert_element_type3A_52 = arith.fptosi %mul3A_51 : f32 to i32
      %mul3A_53 = arith.constant 1.500000e-01 : f32
      %mul3A_54 = arith.mulf %mul3A_53, %sub3A_49 : f32
      %convert_element_type3A_55 = arith.fptosi %mul3A_54 : f32 to i32
      %stack3A = vector.broadcast %convert_element_type3A_52 : i32 to vector<1xi32>
      %stack3A_56 = vector.broadcast %convert_element_type3A_55 : i32 to vector<1xi32>
      %stack3A_57 = tpu.concatenate %stack3A, %stack3A_56 in 0 : vector<1xi32>, vector<1xi32> -> vector<2xi32>
      %reshape3A = vector.shape_cast %stack3A_57 : vector<2xi32> to vector<2x1xi32>
      %ne3A = arith.constant 0.000000e+00 : f32
      %ne3A_58 = vector.broadcast %ne3A : f32 to vector<2x2048xf32>
      %ne3A_59 = arith.cmpf one, %concatenate3A, %ne3A_58 : vector<2x2048xf32>
      %jit3A = arith.constant 0x7F800000 : f32
      %broadcast_in_dim3A_60 = vector.broadcast %jit3A : f32 to vector<2x2048xf32>
      %select_n3A = arith.select %ne3A_59, %concatenate3A, %broadcast_in_dim3A_60 : vector<2x2048xi1>, vector<2x2048xf32>
      %bitcast_convert_type3A = tpu.bitcast %select_n3A : vector<2x2048xf32> -> vector<2x2048xi32>
      %broadcast_in_dim3A_61 = arith.constant 0 : i32
      %broadcast_in_dim3A_62 = vector.broadcast %broadcast_in_dim3A_61 : i32 to vector<2x1xi32>
      %broadcast_in_dim3A_63 = arith.constant 2139095040 : i32
      %broadcast_in_dim3A_64 = vector.broadcast %broadcast_in_dim3A_63 : i32 to vector<2x1xi32>
      %scan3A = arith.constant 0 : i32
      %scan3A_65 = arith.constant 31 : i32
      %scan3A_66 = arith.addi %scan3A, %scan3A_65 : i32
      %scan3A_67 = arith.constant 1 : i32
      %scan3A_68:2 = scf.for %scan3A_153 = %scan3A to %scan3A_66 step %scan3A_67 iter_args(%scan3A_154 = %broadcast_in_dim3A_62, %scan3A_155 = %broadcast_in_dim3A_64) -> (vector<2x1xi32>, vector<2x1xi32>)  : i32 {
        %sub3A_156 = arith.subi %scan3A_155, %scan3A_154 : vector<2x1xi32>
        %div3A = arith.constant 2 : i32
        %div3A_157 = vector.broadcast %div3A : i32 to vector<2x1xi32>
        %div3A_158 = arith.divsi %sub3A_156, %div3A_157 : vector<2x1xi32>
        %add3A_159 = arith.addi %scan3A_154, %div3A_158 : vector<2x1xi32>
        %le3A_160 = vector.broadcast %add3A_159 : vector<2x1xi32> to vector<2x2048xi32>
        %le3A_161 = arith.cmpi sle, %bitcast_convert_type3A, %le3A_160 : vector<2x2048xi32>
        %convert_element_type3A_162 = arith.extui %le3A_161 : vector<2x2048xi1> to vector<2x2048xi32>
        %reduce_sum3A_163 = arith.constant dense<0> : vector<2xi32>
        %reduce_sum3A_164 = vector.multi_reduction <add>, %convert_element_type3A_162, %reduce_sum3A_163 [1] : vector<2x2048xi32> to vector<2xi32>
        %broadcast_in_dim3A_165 = vector.shape_cast %reduce_sum3A_164 : vector<2xi32> to vector<2x1xi32>
        %ge3A = arith.cmpi sge, %broadcast_in_dim3A_165, %reshape3A : vector<2x1xi32>
        %add3A_166 = arith.constant 1 : i32
        %add3A_167 = vector.broadcast %add3A_166 : i32 to vector<2x1xi32>
        %add3A_168 = arith.addi %add3A_159, %add3A_167 : vector<2x1xi32>
        %select_n3A_169 = arith.select %ge3A, %scan3A_154, %add3A_168 : vector<2x1xi1>, vector<2x1xi32>
        %select_n3A_170 = arith.select %ge3A, %add3A_159, %scan3A_155 : vector<2x1xi1>, vector<2x1xi32>
        scf.yield %select_n3A_169, %select_n3A_170 : vector<2x1xi32>, vector<2x1xi32>
      }
      %lt3A = vector.broadcast %scan3A_68#0 : vector<2x1xi32> to vector<2x2048xi32>
      %lt3A_69 = arith.cmpi slt, %bitcast_convert_type3A, %lt3A : vector<2x2048xi32>
      %convert_element_type3A_70 = arith.extui %lt3A_69 : vector<2x2048xi1> to vector<2x2048xi32>
      %reduce_sum3A_71 = arith.constant dense<0> : vector<2xi32>
      %reduce_sum3A_72 = vector.multi_reduction <add>, %convert_element_type3A_70, %reduce_sum3A_71 [1] : vector<2x2048xi32> to vector<2xi32>
      %broadcast_in_dim3A_73 = vector.shape_cast %reduce_sum3A_72 : vector<2xi32> to vector<2x1xi32>
      %eq3A_74 = vector.broadcast %scan3A_68#0 : vector<2x1xi32> to vector<2x2048xi32>
      %eq3A_75 = arith.cmpi eq, %bitcast_convert_type3A, %eq3A_74 : vector<2x2048xi32>
      %convert_element_type3A_76 = arith.extui %eq3A_75 : vector<2x2048xi1> to vector<2x2048xi32>
      %broadcast_in_dim3A_77 = arith.constant 0 : i32
      %broadcast_in_dim3A_78 = vector.broadcast %broadcast_in_dim3A_77 : i32 to vector<2x1xi32>
      %slice3A = vector.extract_strided_slice %convert_element_type3A_76 {offsets = [0, 0], sizes = [2, 2047], strides = [1, 1]} : vector<2x2048xi32> to vector<2x2047xi32>
      %concatenate3A_79 = tpu.concatenate %broadcast_in_dim3A_78, %slice3A in 1 : vector<2x1xi32>, vector<2x2047xi32> -> vector<2x2048xi32>
      %add3A_80 = arith.addi %convert_element_type3A_76, %concatenate3A_79 : vector<2x2048xi32>
      %broadcast_in_dim3A_81 = arith.constant 0 : i32
      %broadcast_in_dim3A_82 = vector.broadcast %broadcast_in_dim3A_81 : i32 to vector<2x2xi32>
      %slice3A_83 = vector.extract_strided_slice %add3A_80 {offsets = [0, 0], sizes = [2, 2046], strides = [1, 1]} : vector<2x2048xi32> to vector<2x2046xi32>
      %concatenate3A_84 = tpu.concatenate %broadcast_in_dim3A_82, %slice3A_83 in 1 : vector<2x2xi32>, vector<2x2046xi32> -> vector<2x2048xi32>
      %add3A_85 = arith.addi %add3A_80, %concatenate3A_84 : vector<2x2048xi32>
      %broadcast_in_dim3A_86 = arith.constant 0 : i32
      %broadcast_in_dim3A_87 = vector.broadcast %broadcast_in_dim3A_86 : i32 to vector<2x4xi32>
      %slice3A_88 = vector.extract_strided_slice %add3A_85 {offsets = [0, 0], sizes = [2, 2044], strides = [1, 1]} : vector<2x2048xi32> to vector<2x2044xi32>
      %concatenate3A_89 = tpu.concatenate %broadcast_in_dim3A_87, %slice3A_88 in 1 : vector<2x4xi32>, vector<2x2044xi32> -> vector<2x2048xi32>
      %add3A_90 = arith.addi %add3A_85, %concatenate3A_89 : vector<2x2048xi32>
      %broadcast_in_dim3A_91 = arith.constant 0 : i32
      %broadcast_in_dim3A_92 = vector.broadcast %broadcast_in_dim3A_91 : i32 to vector<2x8xi32>
      %slice3A_93 = vector.extract_strided_slice %add3A_90 {offsets = [0, 0], sizes = [2, 2040], strides = [1, 1]} : vector<2x2048xi32> to vector<2x2040xi32>
      %concatenate3A_94 = tpu.concatenate %broadcast_in_dim3A_92, %slice3A_93 in 1 : vector<2x8xi32>, vector<2x2040xi32> -> vector<2x2048xi32>
      %add3A_95 = arith.addi %add3A_90, %concatenate3A_94 : vector<2x2048xi32>
      %broadcast_in_dim3A_96 = arith.constant 0 : i32
      %broadcast_in_dim3A_97 = vector.broadcast %broadcast_in_dim3A_96 : i32 to vector<2x16xi32>
      %slice3A_98 = vector.extract_strided_slice %add3A_95 {offsets = [0, 0], sizes = [2, 2032], strides = [1, 1]} : vector<2x2048xi32> to vector<2x2032xi32>
      %concatenate3A_99 = tpu.concatenate %broadcast_in_dim3A_97, %slice3A_98 in 1 : vector<2x16xi32>, vector<2x2032xi32> -> vector<2x2048xi32>
      %add3A_100 = arith.addi %add3A_95, %concatenate3A_99 : vector<2x2048xi32>
      %broadcast_in_dim3A_101 = arith.constant 0 : i32
      %broadcast_in_dim3A_102 = vector.broadcast %broadcast_in_dim3A_101 : i32 to vector<2x32xi32>
      %slice3A_103 = vector.extract_strided_slice %add3A_100 {offsets = [0, 0], sizes = [2, 2016], strides = [1, 1]} : vector<2x2048xi32> to vector<2x2016xi32>
      %concatenate3A_104 = tpu.concatenate %broadcast_in_dim3A_102, %slice3A_103 in 1 : vector<2x32xi32>, vector<2x2016xi32> -> vector<2x2048xi32>
      %add3A_105 = arith.addi %add3A_100, %concatenate3A_104 : vector<2x2048xi32>
      %broadcast_in_dim3A_106 = arith.constant 0 : i32
      %broadcast_in_dim3A_107 = vector.broadcast %broadcast_in_dim3A_106 : i32 to vector<2x64xi32>
      %slice3A_108 = vector.extract_strided_slice %add3A_105 {offsets = [0, 0], sizes = [2, 1984], strides = [1, 1]} : vector<2x2048xi32> to vector<2x1984xi32>
      %concatenate3A_109 = tpu.concatenate %broadcast_in_dim3A_107, %slice3A_108 in 1 : vector<2x64xi32>, vector<2x1984xi32> -> vector<2x2048xi32>
      %add3A_110 = arith.addi %add3A_105, %concatenate3A_109 : vector<2x2048xi32>
      %broadcast_in_dim3A_111 = arith.constant 0 : i32
      %broadcast_in_dim3A_112 = vector.broadcast %broadcast_in_dim3A_111 : i32 to vector<2x128xi32>
      %slice3A_113 = vector.extract_strided_slice %add3A_110 {offsets = [0, 0], sizes = [2, 1920], strides = [1, 1]} : vector<2x2048xi32> to vector<2x1920xi32>
      %concatenate3A_114 = tpu.concatenate %broadcast_in_dim3A_112, %slice3A_113 in 1 : vector<2x128xi32>, vector<2x1920xi32> -> vector<2x2048xi32>
      %add3A_115 = arith.addi %add3A_110, %concatenate3A_114 : vector<2x2048xi32>
      %broadcast_in_dim3A_116 = arith.constant 0 : i32
      %broadcast_in_dim3A_117 = vector.broadcast %broadcast_in_dim3A_116 : i32 to vector<2x256xi32>
      %slice3A_118 = vector.extract_strided_slice %add3A_115 {offsets = [0, 0], sizes = [2, 1792], strides = [1, 1]} : vector<2x2048xi32> to vector<2x1792xi32>
      %concatenate3A_119 = tpu.concatenate %broadcast_in_dim3A_117, %slice3A_118 in 1 : vector<2x256xi32>, vector<2x1792xi32> -> vector<2x2048xi32>
      %add3A_120 = arith.addi %add3A_115, %concatenate3A_119 : vector<2x2048xi32>
      %broadcast_in_dim3A_121 = arith.constant 0 : i32
      %broadcast_in_dim3A_122 = vector.broadcast %broadcast_in_dim3A_121 : i32 to vector<2x512xi32>
      %slice3A_123 = vector.extract_strided_slice %add3A_120 {offsets = [0, 0], sizes = [2, 1536], strides = [1, 1]} : vector<2x2048xi32> to vector<2x1536xi32>
      %concatenate3A_124 = tpu.concatenate %broadcast_in_dim3A_122, %slice3A_123 in 1 : vector<2x512xi32>, vector<2x1536xi32> -> vector<2x2048xi32>
      %add3A_125 = arith.addi %add3A_120, %concatenate3A_124 : vector<2x2048xi32>
      %broadcast_in_dim3A_126 = arith.constant 0 : i32
      %broadcast_in_dim3A_127 = vector.broadcast %broadcast_in_dim3A_126 : i32 to vector<2x1024xi32>
      %slice3A_128 = vector.extract_strided_slice %add3A_125 {offsets = [0, 0], sizes = [2, 1024], strides = [1, 1]} : vector<2x2048xi32> to vector<2x1024xi32>
      %concatenate3A_129 = tpu.concatenate %broadcast_in_dim3A_127, %slice3A_128 in 1 : vector<2x1024xi32>, vector<2x1024xi32> -> vector<2x2048xi32>
      %add3A_130 = arith.addi %add3A_125, %concatenate3A_129 : vector<2x2048xi32>
      %sub3A_131 = arith.subi %reshape3A, %broadcast_in_dim3A_73 : vector<2x1xi32>
      %le3A = vector.broadcast %sub3A_131 : vector<2x1xi32> to vector<2x2048xi32>
      %le3A_132 = arith.cmpi sle, %add3A_130, %le3A : vector<2x2048xi32>
      %and3A = arith.andi %eq3A_75, %le3A_132 : vector<2x2048xi1>
      %or3A = arith.ori %lt3A_69, %and3A : vector<2x2048xi1>
      %ne3A_133 = arith.constant 0.000000e+00 : f32
      %ne3A_134 = vector.broadcast %ne3A_133 : f32 to vector<2x2048xf32>
      %ne3A_135 = arith.cmpf one, %concatenate3A, %ne3A_134 : vector<2x2048xf32>
      %and3A_136 = arith.andi %or3A, %ne3A_135 : vector<2x2048xi1>
      %convert_element_type3A_137 = arith.extui %and3A_136 : vector<2x2048xi1> to vector<2x2048xi32>
      %convert_element_type3A_138 = arith.sitofp %convert_element_type3A_137 : vector<2x2048xi32> to vector<2x2048xf32>
      %slice3A_139 = vector.extract_strided_slice %convert_element_type3A_138 {offsets = [0, 0], sizes = [1, 2048], strides = [1, 1]} : vector<2x2048xf32> to vector<1x2048xf32>
      %swap3A_140 = arith.constant 0 : index
      %swap3A_141 = arith.constant 0 : index
      %swap3A_142 = arith.constant 0 : index
      %swap3A_143 = vector.load %arg6[%swap3A_140, %swap3A_141, %swap3A_142] : memref<1x1x2048xf32, #tpu.memory_space<vmem>>, vector<1x1x2048xf32>
      %swap3A_144 = vector.shape_cast %swap3A_143 : vector<1x1x2048xf32> to vector<1x2048xf32>
      %swap3A_145 = vector.shape_cast %slice3A_139 : vector<1x2048xf32> to vector<1x1x2048xf32>
      tpu.vector_store %arg6[%swap3A_140, %swap3A_141, %swap3A_142], %swap3A_145 {strides = array<i32>} : memref<1x1x2048xf32, #tpu.memory_space<vmem>>, vector<1x1x2048xf32>,
      %slice3A_146 = vector.extract_strided_slice %convert_element_type3A_138 {offsets = [1, 0], sizes = [1, 2048], strides = [1, 1]} : vector<2x2048xf32> to vector<1x2048xf32>
      %swap3A_147 = arith.constant 0 : index
      %swap3A_148 = arith.constant 0 : index
      %swap3A_149 = arith.constant 0 : index
      %swap3A_150 = vector.load %arg7[%swap3A_147, %swap3A_148, %swap3A_149] : memref<1x1x2048xf32, #tpu.memory_space<vmem>>, vector<1x1x2048xf32>
      %swap3A_151 = vector.shape_cast %swap3A_150 : vector<1x1x2048xf32> to vector<1x2048xf32>
      %swap3A_152 = vector.shape_cast %slice3A_146 : vector<1x2048xf32> to vector<1x1x2048xf32>
      tpu.vector_store %arg7[%swap3A_147, %swap3A_148, %swap3A_149], %swap3A_152 {strides = array<i32>} : memref<1x1x2048xf32, #tpu.memory_space<vmem>>, vector<1x1x2048xf32>,
    } else {
    }
    return
  }
  func.func @transform_0(%arg0: i32, %arg1: i32) -> (i32, i32, i32) {
    %c0_i32 = arith.constant 0 : i32
    %c0_i32_0 = arith.constant 0 : i32
    return %arg0, %arg1, %c0_i32 : i32, i32, i32
  }
  func.func @transform_1(%arg0: i32, %arg1: i32) -> (i32, i32) {
    %c0_i32 = arith.constant 0 : i32
    %c0_i32_0 = arith.constant 0 : i32
    %c0_i32_1 = arith.constant 0 : i32
    return %c0_i32, %c0_i32_0 : i32, i32
  }
  func.func @transform_2(%arg0: i32, %arg1: i32) -> (i32, i32, i32) {
    %c0_i32 = arith.constant 0 : i32
    %c0_i32_0 = arith.constant 0 : i32
    %c0_i32_1 = arith.constant 0 : i32
    return %arg0, %c0_i32, %c0_i32_0 : i32, i32, i32
  }
  func.func @transform_3(%arg0: i32, %arg1: i32) -> (i32, i32, i32) {
    %c0_i32 = arith.constant 0 : i32
    %c0_i32_0 = arith.constant 0 : i32
    %c0_i32_1 = arith.constant 0 : i32
    return %arg0, %c0_i32, %c0_i32_0 : i32, i32, i32
  }
  func.func @transform_4(%arg0: i32, %arg1: i32) -> (i32, i32, i32) {
    %c0_i32 = arith.constant 0 : i32
    %c0_i32_0 = arith.constant 0 : i32
    %c0_i32_1 = arith.constant 0 : i32
    return %arg0, %c0_i32, %c0_i32_0 : i32, i32, i32
  }
  func.func @transform_5(%arg0: i32, %arg1: i32) -> (i32, i32, i32) {
    %c0_i32 = arith.constant 0 : i32
    %c0_i32_0 = arith.constant 0 : i32
    %c0_i32_1 = arith.constant 0 : i32
    return %arg0, %c0_i32, %c0_i32_0 : i32, i32, i32
  }
}

module attributes {stable_mosaic.version = 14 : i64} {
  func.func @_blend_body(%arg0: i32, %arg1: i32, %arg2: memref<1x512x768xf32, #tpu.memory_space<vmem>>, %arg3: memref<1x512x768xf32, #tpu.memory_space<vmem>>, %arg4: memref<1x512x1xf32, #tpu.memory_space<vmem>>, %arg5: memref<1x512x1xf32, #tpu.memory_space<vmem>>, %arg6: memref<1x768xf32, #tpu.memory_space<vmem>>, %arg7: memref<1x512x768xf32, #tpu.memory_space<vmem>>, %arg8: memref<1x512x768xf32, #tpu.memory_space<vmem>>) attributes {dimension_semantics = [#tpu.dimension_semantics<arbitrary>, #tpu.dimension_semantics<arbitrary>], iteration_bounds = array<i64: 4, 4>, scalar_prefetch = 0 : i64, scratch_operands = 0 : i64, tpu.core_type = #tpu.core_type<tc>, window_params = [{transform_indices = @transform_0, window_bounds = array<i64: 1, 512, 768>}, {transform_indices = @transform_1, window_bounds = array<i64: 1, 512, 768>}, {transform_indices = @transform_2, window_bounds = array<i64: 1, 512, 1>}, {transform_indices = @transform_3, window_bounds = array<i64: 1, 512, 1>}, {pipeline_mode = #tpu.pipeline_mode<synchronous>, transform_indices = @transform_4, window_bounds = array<i64: 1, 768>}, {transform_indices = @transform_5, window_bounds = array<i64: 1, 512, 768>}, {transform_indices = @transform_6, window_bounds = array<i64: 1, 512, 768>}]} {
    %get3A = arith.constant 0 : index
    %get3A_0 = arith.constant 0 : index
    %get3A_1 = vector.load %arg6[%get3A, %get3A_0] : memref<1x768xf32, #tpu.memory_space<vmem>>, vector<1x768xf32>
    %get3A_2 = arith.constant 0 : index
    %get3A_3 = arith.constant 0 : index
    %get3A_4 = arith.constant 0 : index
    %get3A_5 = vector.load %arg4[%get3A_2, %get3A_3, %get3A_4] : memref<1x512x1xf32, #tpu.memory_space<vmem>>, vector<1x512x1xf32>
    %get3A_6 = vector.shape_cast %get3A_5 : vector<1x512x1xf32> to vector<512x1xf32>
    %get3A_7 = arith.constant 0 : index
    %get3A_8 = arith.constant 0 : index
    %get3A_9 = arith.constant 0 : index
    %get3A_10 = vector.load %arg5[%get3A_7, %get3A_8, %get3A_9] : memref<1x512x1xf32, #tpu.memory_space<vmem>>, vector<1x512x1xf32>
    %get3A_11 = vector.shape_cast %get3A_10 : vector<1x512x1xf32> to vector<512x1xf32>
    %get3A_12 = arith.constant 0 : index
    %get3A_13 = arith.constant 0 : index
    %get3A_14 = arith.constant 0 : index
    %get3A_15 = vector.load %arg2[%get3A_12, %get3A_13, %get3A_14] : memref<1x512x768xf32, #tpu.memory_space<vmem>>, vector<1x512x768xf32>
    %get3A_16 = vector.shape_cast %get3A_15 : vector<1x512x768xf32> to vector<512x768xf32>
    %sub3A = arith.constant 1.000000e+00 : f32
    %sub3A_17 = vector.broadcast %sub3A : f32 to vector<512x1xf32>
    %sub3A_18 = arith.subf %sub3A_17, %get3A_6 : vector<512x1xf32>
    %mul3A = vector.broadcast %sub3A_18 : vector<512x1xf32> to vector<512x768xf32>
    %mul3A_19 = arith.mulf %get3A_16, %mul3A : vector<512x768xf32>
    %mul3A_20 = vector.broadcast %get3A_6 : vector<512x1xf32> to vector<512x768xf32>
    %mul3A_21 = vector.broadcast %get3A_1 : vector<1x768xf32> to vector<512x768xf32>
    %mul3A_22 = arith.mulf %mul3A_20, %mul3A_21 : vector<512x768xf32>
    %add3A = arith.addf %mul3A_19, %mul3A_22 : vector<512x768xf32>
    %swap3A = arith.constant 0 : index
    %swap3A_23 = arith.constant 0 : index
    %swap3A_24 = arith.constant 0 : index
    %swap3A_25 = vector.load %arg7[%swap3A, %swap3A_23, %swap3A_24] : memref<1x512x768xf32, #tpu.memory_space<vmem>>, vector<1x512x768xf32>
    %swap3A_26 = vector.shape_cast %swap3A_25 : vector<1x512x768xf32> to vector<512x768xf32>
    %swap3A_27 = vector.shape_cast %add3A : vector<512x768xf32> to vector<1x512x768xf32>
    tpu.vector_store %arg7[%swap3A, %swap3A_23, %swap3A_24], %swap3A_27 {strides = array<i32>} : memref<1x512x768xf32, #tpu.memory_space<vmem>>, vector<1x512x768xf32>,
    %get3A_28 = arith.constant 0 : index
    %get3A_29 = arith.constant 0 : index
    %get3A_30 = arith.constant 0 : index
    %get3A_31 = vector.load %arg3[%get3A_28, %get3A_29, %get3A_30] : memref<1x512x768xf32, #tpu.memory_space<vmem>>, vector<1x512x768xf32>
    %get3A_32 = vector.shape_cast %get3A_31 : vector<1x512x768xf32> to vector<512x768xf32>
    %sub3A_33 = arith.constant 1.000000e+00 : f32
    %sub3A_34 = vector.broadcast %sub3A_33 : f32 to vector<512x1xf32>
    %sub3A_35 = arith.subf %sub3A_34, %get3A_11 : vector<512x1xf32>
    %mul3A_36 = vector.broadcast %sub3A_35 : vector<512x1xf32> to vector<512x768xf32>
    %mul3A_37 = arith.mulf %get3A_32, %mul3A_36 : vector<512x768xf32>
    %mul3A_38 = vector.broadcast %get3A_11 : vector<512x1xf32> to vector<512x768xf32>
    %mul3A_39 = vector.broadcast %get3A_1 : vector<1x768xf32> to vector<512x768xf32>
    %mul3A_40 = arith.mulf %mul3A_38, %mul3A_39 : vector<512x768xf32>
    %add3A_41 = arith.addf %mul3A_37, %mul3A_40 : vector<512x768xf32>
    %swap3A_42 = arith.constant 0 : index
    %swap3A_43 = arith.constant 0 : index
    %swap3A_44 = arith.constant 0 : index
    %swap3A_45 = vector.load %arg8[%swap3A_42, %swap3A_43, %swap3A_44] : memref<1x512x768xf32, #tpu.memory_space<vmem>>, vector<1x512x768xf32>
    %swap3A_46 = vector.shape_cast %swap3A_45 : vector<1x512x768xf32> to vector<512x768xf32>
    %swap3A_47 = vector.shape_cast %add3A_41 : vector<512x768xf32> to vector<1x512x768xf32>
    tpu.vector_store %arg8[%swap3A_42, %swap3A_43, %swap3A_44], %swap3A_47 {strides = array<i32>} : memref<1x512x768xf32, #tpu.memory_space<vmem>>, vector<1x512x768xf32>,
    return
  }
  func.func @transform_0(%arg0: i32, %arg1: i32) -> (i32, i32, i32) {
    %c0_i32 = arith.constant 0 : i32
    %c0_i32_0 = arith.constant 0 : i32
    return %arg0, %arg1, %c0_i32 : i32, i32, i32
  }
  func.func @transform_1(%arg0: i32, %arg1: i32) -> (i32, i32, i32) {
    %c0_i32 = arith.constant 0 : i32
    %c0_i32_0 = arith.constant 0 : i32
    return %arg0, %arg1, %c0_i32 : i32, i32, i32
  }
  func.func @transform_2(%arg0: i32, %arg1: i32) -> (i32, i32, i32) {
    %c0_i32 = arith.constant 0 : i32
    %c0_i32_0 = arith.constant 0 : i32
    return %arg0, %arg1, %c0_i32 : i32, i32, i32
  }
  func.func @transform_3(%arg0: i32, %arg1: i32) -> (i32, i32, i32) {
    %c0_i32 = arith.constant 0 : i32
    %c0_i32_0 = arith.constant 0 : i32
    return %arg0, %arg1, %c0_i32 : i32, i32, i32
  }
  func.func @transform_4(%arg0: i32, %arg1: i32) -> (i32, i32) {
    %c0_i32 = arith.constant 0 : i32
    %c0_i32_0 = arith.constant 0 : i32
    %c0_i32_1 = arith.constant 0 : i32
    return %c0_i32, %c0_i32_0 : i32, i32
  }
  func.func @transform_5(%arg0: i32, %arg1: i32) -> (i32, i32, i32) {
    %c0_i32 = arith.constant 0 : i32
    %c0_i32_0 = arith.constant 0 : i32
    return %arg0, %arg1, %c0_i32 : i32, i32, i32
  }
  func.func @transform_6(%arg0: i32, %arg1: i32) -> (i32, i32, i32) {
    %c0_i32 = arith.constant 0 : i32
    %c0_i32_0 = arith.constant 0 : i32
    return %arg0, %arg1, %c0_i32 : i32, i32, i32
  }
}

</mosaic_0001>

<sc_bundles>
// kernel: kernel.5.cloned.1.call-start
scs
__scs_entry_jumppad:
0x0: {  	(pc) =	sbr.rel $0x88, $3  }
0x1: {  	(tag) =	ssettag $0x0;
	lr =	simm.s32 $0x1  }
0x2: {  	[smem:$0x3F9A] =	sst lr;
	_ =	strace $0xD0000000  }
0x3: {  	_ = 	snop  }
0x4: {  	_ = 	snop  }
0x5: {  	_ = 	snop  }
0x6: {  	_ = 	snop  }
0x7: {  	_ = 	snop  }
__scs_overlays_trampoline_lowered:
0x8: {  	[smem:$0x3FA9] =	sst s0  }
0x9: {  	[smem:$0x3FAA] =	sst s1  }
0xa: {  	[smem:$0x3FAB] =	sst s2  }
0xb: {  	[smem:$0x3FAC] =	sst s3  }
0xc: {  	[smem:$0x3FAD] =	sst s4  }
0xd: {  	[smem:$0x3FAE] =	sst s5  }
0xe: {  	[smem:$0x3FAF] =	sst s6  }
0xf: {  	[smem:$0x3FB0] =	sst s7  }
0x10: {  	[smem:$0x3FB1] =	sst s8  }
0x11: {  	[smem:$0x3FB2] =	sst s9;
	s0 =	simm.s32 @!p0 $0x0  }
0x12: {  	s1 =	sld [smem:$0x3F98];
	s0 =	simm.s32 @p0 $0x1  }
0x13: {  	[smem:$0x3FB3] =	sst s0;
	s0 =	simm.s32 @!p1 $0x0  }
0x14: {  	s2 =	sld [smem:$0x3F97];
	s0 =	simm.s32 @p1 $0x1  }
0x15: {  	[smem:$0x3FB4] =	sst s0;
	s0 =	simm.s32 @!p2 $0x0  }
0x16: {  	s3 =	sld [smem:$0x3FDB];
	s0 =	simm.s32 @p2 $0x1  }
0x17: {  	s4 =	simm.s32 $0x1BF5;
	[smem:$0x3FB6] =	sst s0  }
0x18: {  	s0 =	sld [smem:$0x3F99];
	_ =	swait.ge [sflag:s4], $0x0  }
0x19: {  	s7 =	sld [smem:$0x3F9A]  }
0x1a: {  	s8 =	sadd.s32 $0xFFFFE003, lr  }
0x1b: {  	s9 =	sadd.s32 $0xFFFFFEF7, lr;
	s5 =	simm.s32 $0xFFFFFFFF;
	p2 =	slt.u32 s8, $0xFFFFF086  }
0x1c: {  	p1 =	slt.u32 s9, $0xF7A;
	s5 =	simm.s32 @!p2 $0x0  }
0x1d: {  	s5 =	simm.s32 @p1 $0x1;
	p0 =	seq.s32 s7, s2  }
0x1e: {  	s7 =	smul.u32 @!p0 $0xF7A, s2;
	p2 =	seq.s32 @!p0 s5, $0x0  }
0x1f: {  	s9 =	smul.u32 $0xF7A, s1;
	s8 =	simm.s32 @!p0 $0x1BF5;
	p2 =	por !p2, p0  }
0x20: {  	[sflag:s8] =	ssyncset.s32 @!p0 $0xFFFFF086;
	s6 =	sadd.s32 @!p0 s3, s7;
	s7 =	simm.s32 @!p0 $0x108  }
0x21: {  	s3 =	sadd.s32 s3, s9;
	s6 =	sadd.s32 @!p0 $0x88, s6;
	s7 =	simm.s32 @p2 $0x1082  }
0x22: {  	[simem:s7], [sflag:s8] =	dma.local @!p0 [hbm:s6], $0xF7A  }
0x23: {  	s9 =	sor.u32 $0xD0000000, s2;
	s6 =	simm.s32 $0x108;
	_ =	swait.ge @!p0 [sflag:s8], $0x0  }
0x24: {  	s3 =	sadd.s32 $0x88, s3;
	s6 =	simm.s32 @!p1 $0x1082;
	[sflag:s4] =	ssyncset.s32 $0xFFFFF086  }
0x25: {  	[simem:s6], [sflag:s4] =	dma.local [hbm:s3], $0xF7A  }
0x26: {  	[smem:$0x3F9A] =	sst s1;
	(tag) =	ssettag s2;
	_ =	strace s9  }
0x27: {  	s1 =	sld [smem:$0x3FAA]  }
0x28: {  	s2 =	sld [smem:$0x3FAB]  }
0x29: {  	s4 =	sld [smem:$0x3FAD]  }
0x2a: {  	p0 =	seq.s32 s5, $0x0;
	s5 =	sld [smem:$0x3FAE]  }
0x2b: {  	s6 =	sld [smem:$0x3FAF]  }
0x2c: {  	s7 =	sld [smem:$0x3FB0]  }
0x2d: {  	s3 =	simm.s32 $0x108;
	s8 =	sld [smem:$0x3FB1]  }
0x2e: {  	s3 =	simm.s32 @!p0 $0x1082;
	s9 =	sld [smem:$0x3FB2]  }
0x2f: {  	lr =	sadd.s32 s0, s3;
	s0 =	sld [smem:$0x3FA9]  }
0x30: {  	s3 =	sld [smem:$0x3FAC]  }
0x31: {  	[smem:$0x3FB5] =	sst s10  }
0x32: {  	s10 =	sld [smem:$0x3FB3];
	_ =	sdelay $0x3  }
0x33: {  	p0 =	seq.s32 s10, $0x1;
	s10 =	sld [smem:$0x3FB5];
	_ =	sdelay $0x3  }
0x34: {  	[smem:$0x3FB5] =	sst s10  }
0x35: {  	s10 =	sld [smem:$0x3FB4];
	_ =	sdelay $0x3  }
0x36: {  	p1 =	seq.s32 s10, $0x1;
	s10 =	sld [smem:$0x3FB5];
	_ =	sdelay $0x3  }
0x37: {  	[smem:$0x3FB5] =	sst s10  }
0x38: {  	s10 =	sld [smem:$0x3FB6]  }
0x39: {  	_ = 	snop;
	(pc) =	sbr.ind lr, $3  }
0x3a: {  	_ = 	snop  }
0x3b: {  	_ = 	snop  }
0x3c: {  	p2 =	seq.s32 s10, $0x1;
	s10 =	sld [smem:$0x3FB5]  }
0x3d: {  	_ =	shalt  }
0x3e: {  	_ =	shalt  }
0x3f: {  	_ =	shalt  }
0x40: {  	_ =	shalt  }
0x41: {  	_ =	shalt  }
0x42: {  	_ =	shalt  }
0x43: {  	_ =	shalt  }
0x44: {  	_ =	shalt  }
0x45: {  	_ =	shalt  }
0x46: {  	_ =	shalt  }
0x47: {  	_ =	shalt  }
0x48: {  	_ =	shalt  }
0x49: {  	_ =	shalt  }
0x4a: {  	_ =	shalt  }
0x4b: {  	_ =	shalt  }
0x4c: {  	_ =	shalt  }
0x4d: {  	_ =	shalt  }
0x4e: {  	_ =	shalt  }
0x4f: {  	_ =	shalt  }
0x50: {  	_ =	shalt  }
0x51: {  	_ =	shalt  }
0x52: {  	_ =	shalt  }
0x53: {  	_ =	shalt  }
0x54: {  	_ =	shalt  }
0x55: {  	_ =	shalt  }
0x56: {  	_ =	shalt  }
0x57: {  	_ =	shalt  }
0x58: {  	_ =	shalt  }
0x59: {  	_ =	shalt  }
0x5a: {  	_ =	shalt  }
0x5b: {  	_ =	shalt  }
0x5c: {  	_ =	shalt  }
0x5d: {  	_ =	shalt  }
0x5e: {  	_ =	shalt  }
0x5f: {  	_ =	shalt  }
0x60: {  	_ =	shalt  }
0x61: {  	_ =	shalt  }
0x62: {  	_ =	shalt  }
0x63: {  	_ =	shalt  }
0x64: {  	_ =	shalt  }
0x65: {  	_ =	shalt  }
0x66: {  	_ =	shalt  }
0x67: {  	_ =	shalt  }
0x68: {  	_ =	shalt  }
0x69: {  	_ =	shalt  }
0x6a: {  	_ =	shalt  }
0x6b: {  	_ =	shalt  }
0x6c: {  	_ =	shalt  }
0x6d: {  	_ =	shalt  }
0x6e: {  	_ =	shalt  }
0x6f: {  	_ =	shalt  }
0x70: {  	_ =	shalt  }
0x71: {  	_ =	shalt  }
0x72: {  	_ =	shalt  }
0x73: {  	_ =	shalt  }
0x74: {  	_ =	shalt  }
0x75: {  	_ =	shalt  }
0x76: {  	_ =	shalt  }
0x77: {  	_ =	shalt  }
0x78: {  	_ =	shalt  }
0x79: {  	_ =	shalt  }
0x7a: {  	_ =	shalt  }
0x7b: {  	_ =	shalt  }
0x7c: {  	_ =	shalt  }
0x7d: {  	_ =	shalt  }
0x7e: {  	_ =	shalt  }
0x7f: {  	_ =	shalt  }
0x80: {  	_ =	shalt  }
0x81: {  	_ =	shalt  }
0x82: {  	_ =	shalt  }
0x83: {  	_ =	shalt  }
0x84: {  	_ =	shalt  }
0x85: {  	_ =	shalt  }
0x86: {  	_ =	shalt  }
0x87: {  	_ =	shalt  }
.Lfunc_end0:
.L_simem_size_0:
called_computation_lowered:
.L_overlay_start_0:
0x88: {  	s2 =	sld [smem:$0x3FD9]  }
0x89: {  	s3 =	sld [smem:$0x3FFE];
	_ =	sdelay $0x1  }
0x8a: {  	s1 =	srdreg.scid  }
0x8b: {  	s0 =	sand.u32 $0x1, s1  }
0x8c: {  	s15 =	sshll.u32 s0, $0xA;
	s2 =	sadd.s32 s3, s2  }
0x8d: {  	s2 =	sadd.s32 s2, s15  }
0x8e: {  	[smem:$0x3FC1] =	sst s2  }
0x8f: {  	_ = 	snop  }
0x90: {  	s2 =	sld [smem:$0x3FD0];
	_ =	sdelay $0x2  }
0x91: {  	s4 =	simm.s32 $0xA;
	s5 =	simm.s32 $0x10;
	s16 =	sld [smem:$0x3FC8]  }
0x92: {  	[smem:s5], [sflag:s4] =	dma.local [hbm:s2], $0x1  }
0x93: {  	_ =	swait.eq [sflag:s4], $0x1  }
0x94: {  	[sflag:s4] =	ssyncset.done $0x0  }
0x95: {  	[sflag:s4] =	ssyncadd.s32 $0xFFFFFFFF  }
0x96: {  	s17 =	sld [smem:$0x11];
	(tm) =	ssettm $0x1  }
0x97: {  	s18 =	sld [smem:$0x3FFB];
	_ =	sdelay $0x3  }
0x98: {  	_ =	strace s18  }
0x99: {  	s4 =	sld [smem:$0x3FFC];
	_ =	sdelay $0x3  }
0x9a: {  	_ =	strace s4  }
0x9b: {  	s4 =	sld [smem:$0x3FFD];
	_ =	sdelay $0x3  }
0x9c: {  	_ =	strace s4  }
0x9d: {  	_ =	strace $0x8FFFFFFF  }
0x9e: {  	s19 =	sld [smem:$0x3FDB];
	_ =	sdelay $0x1  }
0x9f: {  	s20 =	simm.s32 $_scs_section_size  }
0xa0: {  	s6 =	simm.s32 $_size__tile_overlayer_lowered;
	s7 =	simm.s32 $_tile_overlayer_lowered  }
0xa1: {  	s23 =	simm.s32 $0x1BFF;
	s22 =	sshll.u32 s7, $0x1;
	s4 =	sadd.s32 s20, s19  }
0xa2: {  	s8 =	simm.s32 $0x0;
	s21 =	sshll.u32 s6, $0x1;
	s6 =	sadd.s32 s22, s4  }
0xa3: {  	[timem:s8], [sflag:s23] =	dma.local [hbm:s6], s21  }
0xa4: {  	_ =	swait.ge [sflag:s23], s21  }
0xa5: {  	s5 =	ssub.s32 $0x0, s21;
	[sflag:s23] =	ssyncset.done $0x0  }
0xa6: {  	[sflag:s23] =	ssyncadd.s32 s5;
	_ =	sdelay $0x1  }
0xa7: {  	s24 =	simm.s32 $0x1B8B  }
0xa8: {  	_ =	swait.ge [sflag:s24], $0x1  }
0xa9: {  	[sflag:s24] =	ssyncset.done $0x0  }
0xaa: {  	s25 =	simm.s32 $0x1B8E;
	[sflag:s24] =	ssyncadd.s32 $0xFFFFFFFF  }
0xab: {  	s26 =	simm.s32 $execute0_lowered;
	[smem:$0x3FD2] =	sst s25  }
0xac: {  	s5 =	sshll.u32 s26, $0x1;
	_ =	strace $0x80000046;
	[dreg:$0x1] =	wrdreg $0xFFFFFFFF  }
0xad: {  	s28 =	simm.s32 $_size_execute0_lowered;
	s4 =	sadd.s32 s4, s5;
	[dreg:$0x0] =	wrdreg $0x0  }
0xae: {  	s5 =	sshll.u32 s28, $0x1;
	[dreg:$0x2] =	wrdreg s4  }
0xaf: {  	[dreg:$0x3] =	wrdreg s5  }
0xb0: {  	[dreg:$0x4] =	wrdreg $0xC0  }
0xb1: {  	_ =	task [dreg:s8], $0x5FFFF  }
0xb2: {  	[dreg:$0x1] =	wrdreg $0xFFFFFFFF  }
0xb3: {  	[dreg:$0x0] =	wrdreg $0x60  }
0xb4: {  	[dreg:$0x2] =	wrdreg s16  }
0xb5: {  	[dreg:$0x3] =	wrdreg s17  }
0xb6: {  	[dreg:$0x4] =	wrdreg $0x9  }
0xb7: {  	_ =	task.clear_ibuf [dreg:s8], $0x5FFFF;
	_ =	strace $0x90000046  }
0xb8: {  	s29 =	simm.s32 $0x9;
	_ =	strace $0x80000048  }
0xb9: {  	_ =	swait.ge [sflag:s29], $0x1  }
0xba: {  	[sflag:s29] =	ssyncadd.s32 $0xFFFFFFFF  }
0xbb: {  	_ =	strace $0x90000048  }
0xbc: {  	_ =	sfence  }
0xbd: {  	s30 =	sld [smem:$0x0];
	_ =	sdelay $0x2  }
0xbe: {  	s31 =	sshll.u32 s1, $0xD;
	s1 =	sshrl.u32 s1, $0x2  }
0xbf: {  	s3 =	sand.u32 $0x4000, s31;
	s1 =	sadd.s32 s1, s30  }
0xc0: {  	s0 =	sor.u32 s3, s0;
	s1 =	sshll.u32 s1, $0x11  }
0xc1: {  	s0 =	sor.u32 s1, s0  }
0xc2: {  	s0 =	sadd.s32 $0x8F2B, s0  }
0xc3: {  	[sflag:s0] =	ssyncadd.remote.s32 $0x1  }
0xc4: {  	_ =	sfence.sel $0xFFFF  }
0xc5: {  	[dreg:$0x0] =	wrdreg $0xFFFFFFFF;
	(pc) =	sbr.abs _section_cstart, $3  }
0xc6: {  	[dreg:$0x1] =	wrdreg $0xFFFFFFFF  }
0xc7: {  	_ =	task.clear_ibuf [dreg:s8], $0x2FFFF;
	_ =	strace $0x9FFFFFFF  }
0xc8: {  	(tm) =	ssettm $0x7FFFFFFF  }
0xc9: {  	_ =	shalt  }
tec
execute0_lowered:
.L_overlay_start_1:
0x0: {  	(tag) =	ssettag $0x1  }
0x1: {  	s3 =	rddreg [dreg:$0x0]  }
0x2: {  	s4 =	rddreg [dreg:$0x1]  }
0x3: {  	s0 =	rddreg [dreg:$0x2];
	s5 =	srdreg.scid  }
0x4: {  	s2 =	simm.s32 $0x0;
	s1 =	stileid.u32;
	s5 =	sand.u32 $0x1, s5  }
0x5: {  	[smem:$0x7FF] =	sst s2;
	s7 =	sshll.u32 s1, $0x1;
	s30 =	sshll.u32 s1, $0x11  }
0x6: {  	s9 =	sshll.u32 s1, $0x9;
	s6 =	ssub.s32 $0x2, s5;
	_ =	strace $0x80000047  }
0x7: {  	s5 =	sor.u32 s5, s7;
	s31 =	sand.u32 $0x1800, s9;
	s9 =	simm.s32 $0x8000  }
0x8: {  	s8 =	sshrl.u32 s6, $0x1;
	s7 =	sshll.u32 s5, $0x10;
	s5 =	sshll.u32 s5, $0x4  }
0x9: {  	s4 =	sadd.s32 s4, s31;
	s6 =	ssub.s32 s6, s8;
	s8 =	sand.u32 $0x180000, s30  }
0xa: {  	s7 =	sand.u32 $0x70000, s7;
	s5 =	sand.u32 $0x70, s5;
	s3 =	sadd.s32 s3, s8  }
0xb: {  	s4 =	sadd.s32 s5, s4;
	s5 =	smax.u32 s6, $0x1;
	s6 =	simm.s32 $0x1  }
0xc: {  	v0 =	vimm.f32 $0.0e+00;
	s8 =	simm.s32 $0x400;
	s3 =	sadd.s32 s7, s3;
	s7 =	simm.s32 $0x80  }
.LBB2_1:
0xd: {  	s10 =	simm.s32 $0x40;
	s11 =	simm.s32 $0x0  }
.LBB2_2:
0xe: {  	p0 =	sne.s32 s10, $0x1FC0;
	[tilespmem:s11+$0x8000] =	vst v0;
	s11 =	smov.u32 s10;
	s10 =	sadd.s32 $0x40, s10  }
.Ltmp0:
0xf: {  	(pc) =	sbr.rel @p0 .LBB2_2-.Ltmp0, $2  }
0x10: {  	_ =	sdelay $0x2  }
0x11: {  	s11 =	sshra.s32 s11, $0x2  }
0x12: {  	[tilespmem:s11+$0x8000] =	vst v0;
	s10 =	simm.s32 $0x0;
	s11 =	simm.s32 $0x0  }
.LBB2_4:
0x13: {  	s12 =	sshll.u32 s11, $0xC  }
0x14: {  	s12 =	sadd.s32 s12, s3  }
0x15: {  	[tilespmem:s10], [sflag:$0x1] =	stream.linear.gather [hbm4b:s12+s10], $0x8000, $0x38;
	[tilespmem:$0x8800] =	vst v63  }
0x16: {  	_ =	swait.ge [sflag:s6], $0x8000  }
0x17: {  	s30 =	sand.u32 $0x70, s10;
	s13 =	sand.u32 $0x3C00, s10;
	[sflag:s6] =	ssyncset.done $0x0  }
0x18: {  	s13 =	sor.u32 s30, s13;
	[sflag:s6] =	ssyncadd.s32 $0xFFFF8000  }
0x19: {  	s12 =	simm.s32 $0x8000;
	v1 =	vld [tilespmem:s13+$0x0]  }
0x1a: {  	v2 =	vld [tilespmem:s12+$0x0];
	_ =	sdelay $0x1  }
0x1b: {  	v3 =	vld [tilespmem:s13+$0x80];
	_ =	sdelay $0x1  }
0x1c: {  	v4 =	vld [tilespmem:s13+$0x100]  }
0x1d: {  	v1 =	vadd.f32 v1, v2  }
0x1e: {  	v2 =	vld [tilespmem:s13+$0x180]  }
0x1f: {  	v1 =	vadd.f32 v3, v1  }
0x20: {  	v3 =	vld [tilespmem:s13+$0x200]  }
0x21: {  	v1 =	vadd.f32 v4, v1  }
0x22: {  	s14 =	sand.u32 $0x7, s10;
	v60 =	vld [tilespmem:s13+$0x280]  }
0x23: {  	s14 =	sshll.u32 s14, $0x4;
	v1 =	vadd.f32 v2, v1  }
0x24: {  	s14 =	sadd.s32 $0x0, s14;
	v2 =	vld [tilespmem:s13+$0x300]  }
0x25: {  	s14 =	sor.u32 $0x380, s14;
	v1 =	vadd.f32 v3, v1  }
0x26: {  	v3 =	vld [tilespmem:s14+$0x0]  }
0x27: {  	v1 =	vadd.f32 v60, v1  }
0x28: {  	v61 =	vld [tilespmem:s13+$0x4000]  }
0x29: {  	v1 =	vadd.f32 v2, v1  }
0x2a: {  	v2 =	vld [tilespmem:s13+$0x4080]  }
0x2b: {  	v1 =	vadd.f32 v3, v1  }
0x2c: {  	v3 =	vld [tilespmem:s13+$0x4100]  }
0x2d: {  	v1 =	vadd.f32 v61, v1  }
0x2e: {  	v62 =	vld [tilespmem:s13+$0x4180]  }
0x2f: {  	v1 =	vadd.f32 v2, v1  }
0x30: {  	v2 =	vld [tilespmem:s13+$0x4200]  }
0x31: {  	v1 =	vadd.f32 v3, v1  }
0x32: {  	v3 =	vld [tilespmem:s13+$0x4280]  }
0x33: {  	v1 =	vadd.f32 v62, v1  }
0x34: {  	v63 =	vld [tilespmem:s13+$0x4300]  }
0x35: {  	v1 =	vadd.f32 v2, v1  }
0x36: {  	v2 =	vld [tilespmem:s13+$0x4380]  }
0x37: {  	v1 =	vadd.f32 v3, v1;
	_ =	sdelay $0x1  }
0x38: {  	v1 =	vadd.f32 v63, v1;
	_ =	sdelay $0x1  }
0x39: {  	s31 =	simm.s32 $0x10;
	s14 =	simm.s32 $0x80;
	v1 =	vadd.f32 v2, v1  }
0x3a: {  	s15 =	sand.u32 $0x3C00, s14;
	s13 =	sand.u32 $0x70, s31  }
0x3b: {  	s16 =	simm.s32 $0x20;
	s13 =	sor.u32 s13, s15;
	s15 =	simm.s32 $0x0;
	[tilespmem:s12+$0x0] =	vst v1  }
.LBB2_5:
0x3c: {  	p0 =	sne.s32 s16, $0x7F0;
	v1 =	vld [tilespmem:s13+$0x0];
	s12 =	sadd.s32 $0x10, s12  }
0x3d: {  	v2 =	vld [tilespmem:s12+$0x0];
	_ =	sdelay $0x1  }
0x3e: {  	v3 =	vld [tilespmem:s13+$0x80];
	_ =	sdelay $0x1  }
0x3f: {  	v4 =	vld [tilespmem:s13+$0x100]  }
0x40: {  	v1 =	vadd.f32 v1, v2  }
0x41: {  	v2 =	vld [tilespmem:s13+$0x180]  }
0x42: {  	v1 =	vadd.f32 v3, v1  }
0x43: {  	v3 =	vld [tilespmem:s13+$0x200]  }
0x44: {  	s15 =	sadd.s32 $0x1, s15;
	v1 =	vadd.f32 v4, v1  }
0x45: {  	s17 =	sand.u32 $0x7, s15;
	v4 =	vld [tilespmem:s13+$0x280]  }
0x46: {  	s17 =	sshll.u32 s17, $0x4;
	v1 =	vadd.f32 v2, v1  }
0x47: {  	s17 =	sadd.s32 s17, s14;
	v2 =	vld [tilespmem:s13+$0x300]  }
0x48: {  	s17 =	sor.u32 $0x380, s17;
	v1 =	vadd.f32 v3, v1  }
0x49: {  	v3 =	vld [tilespmem:s17+$0x0]  }
0x4a: {  	v1 =	vadd.f32 v4, v1  }
0x4b: {  	v4 =	vld [tilespmem:s13+$0x4000]  }
0x4c: {  	v1 =	vadd.f32 v2, v1  }
0x4d: {  	v2 =	vld [tilespmem:s13+$0x4080]  }
0x4e: {  	v1 =	vadd.f32 v3, v1  }
0x4f: {  	v3 =	vld [tilespmem:s13+$0x4100]  }
0x50: {  	v1 =	vadd.f32 v4, v1  }
0x51: {  	v4 =	vld [tilespmem:s13+$0x4180]  }
0x52: {  	v1 =	vadd.f32 v2, v1  }
0x53: {  	v2 =	vld [tilespmem:s13+$0x4200]  }
0x54: {  	v1 =	vadd.f32 v3, v1  }
0x55: {  	v3 =	vld [tilespmem:s13+$0x4280]  }
0x56: {  	v1 =	vadd.f32 v4, v1  }
0x57: {  	v4 =	vld [tilespmem:s13+$0x4300]  }
0x58: {  	v1 =	vadd.f32 v2, v1  }
0x59: {  	v2 =	vld [tilespmem:s13+$0x4380]  }
0x5a: {  	v1 =	vadd.f32 v3, v1;
	_ =	sdelay $0x1  }
.Ltmp1:
0x5b: {  	v1 =	vadd.f32 v4, v1;
	(pc) =	sbr.rel @p0 .LBB2_5-.Ltmp1, $4  }
0x5c: {  	_ = 	snop  }
0x5d: {  	s14 =	sadd.s32 $0x80, s14;
	v1 =	vadd.f32 v2, v1  }
0x5e: {  	s17 =	sand.u32 $0x3C00, s14;
	s13 =	sand.u32 $0x70, s16  }
0x5f: {  	s16 =	sadd.s32 $0x10, s16;
	s13 =	sor.u32 s13, s17;
	[tilespmem:s12+$0x0] =	vst v1  }
0x60: {  	v1 =	vld [tilespmem:s13+$0x0];
	s12 =	sadd.s32 $0x10, s12  }
0x61: {  	v2 =	vld [tilespmem:s12+$0x0];
	_ =	sdelay $0x1  }
0x62: {  	v3 =	vld [tilespmem:s13+$0x80];
	_ =	sdelay $0x1  }
0x63: {  	v4 =	vld [tilespmem:s13+$0x100]  }
0x64: {  	v1 =	vadd.f32 v1, v2  }
0x65: {  	v2 =	vld [tilespmem:s13+$0x180]  }
0x66: {  	v1 =	vadd.f32 v3, v1  }
0x67: {  	v3 =	vld [tilespmem:s13+$0x200]  }
0x68: {  	s15 =	sadd.s32 $0x1, s15;
	v1 =	vadd.f32 v4, v1  }
0x69: {  	v60 =	vld [tilespmem:s13+$0x280];
	s15 =	sand.u32 $0x7, s15  }
0x6a: {  	s15 =	sshll.u32 s15, $0x4;
	v1 =	vadd.f32 v2, v1  }
0x6b: {  	s14 =	sadd.s32 s15, s14;
	v2 =	vld [tilespmem:s13+$0x300]  }
0x6c: {  	s14 =	sor.u32 $0x380, s14;
	v1 =	vadd.f32 v3, v1  }
0x6d: {  	v3 =	vld [tilespmem:s14+$0x0]  }
0x6e: {  	v1 =	vadd.f32 v60, v1  }
0x6f: {  	v61 =	vld [tilespmem:s13+$0x4000]  }
0x70: {  	v1 =	vadd.f32 v2, v1  }
0x71: {  	v2 =	vld [tilespmem:s13+$0x4080]  }
0x72: {  	v1 =	vadd.f32 v3, v1  }
0x73: {  	v3 =	vld [tilespmem:s13+$0x4100]  }
0x74: {  	v1 =	vadd.f32 v61, v1  }
0x75: {  	v62 =	vld [tilespmem:s13+$0x4180]  }
0x76: {  	v1 =	vadd.f32 v2, v1  }
0x77: {  	v2 =	vld [tilespmem:s13+$0x4200]  }
0x78: {  	v1 =	vadd.f32 v3, v1  }
0x79: {  	v3 =	vld [tilespmem:s13+$0x4280]  }
0x7a: {  	v1 =	vadd.f32 v62, v1  }
0x7b: {  	v63 =	vld [tilespmem:s13+$0x4300]  }
0x7c: {  	v1 =	vadd.f32 v2, v1  }
0x7d: {  	v2 =	vld [tilespmem:s13+$0x4380]  }
0x7e: {  	s11 =	sadd.s32 $0x1, s11;
	v1 =	vadd.f32 v3, v1  }
0x7f: {  	p0 =	sne.s32 s11, $0x10  }
.Ltmp2:
0x80: {  	v1 =	vadd.f32 v63, v1;
	(pc) =	sbr.rel @p0 .LBB2_4-.Ltmp2, $3  }
0x81: {  	_ = 	snop  }
0x82: {  	v1 =	vadd.f32 v2, v1;
	_ =	sdelay $0x1  }
0x83: {  	[tilespmem:s12+$0x0] =	vst v1  }
0x84: {  	s2 =	sadd.s32 $0x1, s2  }
0x85: {  	p0 =	sne.s32 s2, s5  }
.Ltmp3:
0x86: {  	_ = 	snop;
	(pc) =	sbr.rel @p0 .LBB2_1-.Ltmp3, $4  }
0x87: {  	[hbm4b:s4+s7] =	stream.strided.scatter [tilespmem:s9], [sflag:$0x1], $0x800, s8, s7, $0x38;
	[tilespmem:$0x8800] =	vst v63  }
0x88: {  	_ =	swait.ge [sflag:s6], $0x800  }
0x89: {  	[sflag:s6] =	ssyncset.done $0x0  }
0x8a: {  	[sflag:s6] =	ssyncadd.s32 $0xFFFFF800  }
0x8b: {  	_ =	sfence.sel $0x180000  }
0x8c: {  	[bflag:$0x0] =	sbarrier.arrive $0xFFFF  }
0x8d: {  	p0 =	sne.s32 s1, $0x0;
	_ =	strace $0x90000047  }
0x8e: {  	s0 =	sadd.s32 @!p0 $0x100000, s0;
	[bflag:$0x2] =	sbarrier.arrive $0xFFFF  }
0x8f: {  	[sflag:s0] =	ssyncadd.tile.s32 @!p0 $0x1;
	_ =	shalt  }
.Lfunc_end2:
_tile_overlayer_lowered:
.L_overlay_start_2:
0x90: {  	(tag) =	ssettag $0x2  }
0x91: {  	s0 =	rddreg [dreg:$0x0];
	s2 =	stileid.u32  }
0x92: {  	s1 =	rddreg [dreg:$0x1];
	p0 =	sne.s32 s2, $0x0  }
0x93: {  	s3 =	rddreg [dreg:$0x2];
	[bflag:$0x3] =	sbarrier.arrive $0xFFFF;
	s2 =	simm.s32 @!p0 $0x1C01  }
0x94: {  	[timem:s3], [sflag:s2] =	dma.local @!p0 [hbm:s0], s1  }
0x95: {  	s0 =	simm.s32 @!p0 $0x1  }
0x96: {  	_ =	swait.ge @!p0 [sflag:s0], s1  }
0x97: {  	s1 =	ssub.s32 @!p0 $0x0, s1;
	[sflag:s0] =	ssyncset.done @!p0 $0x0  }
0x98: {  	[sflag:s0] =	ssyncadd.s32 @!p0 s1  }
0x99: {  	[bflag:$0x3] =	sbarrier.arrive $0xFFFF  }
0x9a: {  	_ =	shalt  }

</sc_bundles>
